<compile_context>
chip_gen: v7x
topology: tpu7x:2x2x1
jax: 0.10.2.dev20260603
libtpu: 0.0.44.dev20260713+nightly
codegen_flags: <defaults>
</compile_context>

<pallas_src>
import functools

import jax
import jax.numpy as jnp
from jax import lax
from jax.experimental import pallas as pl
from jax.experimental.pallas import tpu as pltpu
from jax.experimental.pallas import tpu_sc as plsc

N = 10000
E = 320000
D = 128
NC = 2
NS = 16
NW = NC * NS
EPW = E // NW
K = 125
CH = EPW // K
NP = 2
CH2 = CH // NP
RB = 1000
RB2 = N // NS

_sc_mesh = plsc.VectorSubcoreMesh(core_axis_name="c", subcore_axis_name="s")


@functools.partial(
    pl.kernel,
    out_type=jax.ShapeDtypeStruct((NC * N,), jnp.float32),
    mesh=_sc_mesh,
    scratch_types=[
        pltpu.VMEM((CH2, K), jnp.int32),
        pltpu.VMEM((K,), jnp.float32),
        pltpu.VMEM((RB,), jnp.float32),
        pltpu.VMEM_SHARED((N,), jnp.float32),
    ],
)
def _sc_degree(er_hbm, ones_hbm, zeros1_hbm, deg_hbm, dst_v, ones_v, stage_v,
               acc):
    cid = lax.axis_index("c")
    sid = lax.axis_index("s")
    wid = cid * NS + sid

    @pl.when(sid < N // RB)
    def _():
        rs = pl.ds(sid * RB, RB)
        pltpu.sync_copy(zeros1_hbm.at[rs], stage_v)
        pltpu.sync_copy(stage_v, acc.at[rs])

    pltpu.sync_copy(ones_hbm, ones_v)
    plsc.subcore_barrier()

    for p in range(NP):
        pltpu.sync_copy(er_hbm.at[NP * NW + NP * wid + p], dst_v)

        @pl.loop(0, CH2)
        def _(j):
            pltpu.sync_copy(ones_v, acc.at[dst_v.at[j]], add=True)

    plsc.subcore_barrier()

    @pl.when(sid < N // RB)
    def _():
        rs = pl.ds(sid * RB, RB)
        pltpu.sync_copy(acc.at[rs], stage_v)
        pltpu.sync_copy(stage_v, deg_hbm.at[pl.ds(cid * N + sid * RB, RB)])


@functools.partial(
    pl.kernel,
    out_type=jax.ShapeDtypeStruct((NC, N, D), jnp.float32),
    mesh=_sc_mesh,
    scratch_types=[
        pltpu.VMEM((CH2, K), jnp.int32),
        pltpu.VMEM((CH2, K), jnp.int32),
        pltpu.VMEM((K, D), jnp.float32),
        pltpu.VMEM((K, D), jnp.float32),
        pltpu.SemaphoreType.DMA,
        pltpu.SemaphoreType.DMA,
        pltpu.VMEM_SHARED((N, D), jnp.float32),
    ],
)
def _sc_scatter(er_hbm, xs_hbm, zeros_hbm, out_hbm,
                src_v, dst_v, rows0, rows1, sg0, sg1, acc):
    cid = lax.axis_index("c")
    sid = lax.axis_index("s")
    wid = cid * NS + sid

    @pl.when(sid < N // RB)
    def _():
        rs = pl.ds(sid * RB, RB)

        @pl.when(cid == 0)
        def _():
            pltpu.sync_copy(xs_hbm.at[rs], acc.at[rs])

        @pl.when(cid == 1)
        def _():
            pltpu.sync_copy(zeros_hbm.at[rs], acc.at[rs])

    plsc.subcore_barrier()

    rows = (rows0, rows1)
    sg = (sg0, sg1)

    for p in range(NP):
        pltpu.sync_copy(er_hbm.at[NP * wid + p], src_v)
        pltpu.sync_copy(er_hbm.at[NP * NW + NP * wid + p], dst_v)
        pltpu.async_copy(xs_hbm.at[src_v.at[0]], rows[0], sg[0])

        @pl.loop(0, CH2)
        def _(j):
            for b in range(2):
                @pl.when(j % 2 == b)
                def _():
                    @pl.when(j < CH2 - 1)
                    def _():
                        pltpu.async_copy(
                            xs_hbm.at[src_v.at[j + 1]], rows[1 - b], sg[1 - b])

                    pltpu.make_async_copy(
                        xs_hbm.at[src_v.at[j]], rows[b], sg[b]).wait()
                    pltpu.sync_copy(rows[b], acc.at[dst_v.at[j]], add=True)

    plsc.subcore_barrier()

    @pl.when(sid < N // RB)
    def _():
        rs = pl.ds(sid * RB, RB)
        pltpu.sync_copy(acc.at[rs], out_hbm.at[cid, rs])


R = 2000
G = N // R


def _tc_mm_body(z_ref, w_ref, x_ref):
    x_ref[...] = jnp.dot(z_ref[...], w_ref[...],
                         preferred_element_type=jnp.float32)


_tc_mm = pl.pallas_call(
    _tc_mm_body,
    grid=(G,),
    in_specs=[
        pl.BlockSpec((R, D), lambda i: (i, 0)),
        pl.BlockSpec((D, D), lambda i: (0, 0)),
    ],
    out_specs=pl.BlockSpec((R, D), lambda i: (i, 0)),
    out_shape=jax.ShapeDtypeStruct((N, D), jnp.float32),
)


def _tc_scale_body(x_ref, deg_ref, xs_ref):
    dv = lax.rsqrt(deg_ref[...] + 1.0)
    xs_ref[...] = x_ref[...] * dv


_tc_scale = pl.pallas_call(
    _tc_scale_body,
    grid=(G,),
    in_specs=[
        pl.BlockSpec((R, D), lambda i: (i, 0)),
        pl.BlockSpec((R, 1), lambda i: (i, 0)),
    ],
    out_specs=pl.BlockSpec((R, D), lambda i: (i, 0)),
    out_shape=jax.ShapeDtypeStruct((N, D), jnp.float32),
)


def _tc_mid_body(p0_ref, p1_ref, deg_ref, w_ref, b_ref, xs_ref):
    dv = lax.rsqrt(deg_ref[...] + 1.0)
    h = jnp.maximum((p0_ref[0] + p1_ref[0]) * dv + b_ref[...], 0.0)
    x = jnp.dot(h, w_ref[...], preferred_element_type=jnp.float32)
    xs_ref[...] = x * dv


_tc_mid = pl.pallas_call(
    _tc_mid_body,
    grid=(G,),
    in_specs=[
        pl.BlockSpec((1, R, D), lambda i: (0, i, 0)),
        pl.BlockSpec((1, R, D), lambda i: (1, i, 0)),
        pl.BlockSpec((R, 1), lambda i: (i, 0)),
        pl.BlockSpec((D, D), lambda i: (0, 0)),
        pl.BlockSpec((1, D), lambda i: (0, 0)),
    ],
    out_specs=pl.BlockSpec((R, D), lambda i: (i, 0)),
    out_shape=jax.ShapeDtypeStruct((N, D), jnp.float32),
)


def _tc_fin_body(p0_ref, p1_ref, deg_ref, b_ref, out_ref):
    dv = lax.rsqrt(deg_ref[...] + 1.0)
    out_ref[...] = (p0_ref[0] + p1_ref[0]) * dv + b_ref[...]


_tc_fin = pl.pallas_call(
    _tc_fin_body,
    grid=(G,),
    in_specs=[
        pl.BlockSpec((1, R, D), lambda i: (0, i, 0)),
        pl.BlockSpec((1, R, D), lambda i: (1, i, 0)),
        pl.BlockSpec((R, 1), lambda i: (i, 0)),
        pl.BlockSpec((1, D), lambda i: (0, 0)),
    ],
    out_specs=pl.BlockSpec((R, D), lambda i: (i, 0)),
    out_shape=jax.ShapeDtypeStruct((N, D), jnp.float32),
)


@jax.jit
def kernel(z, edge_index, W1, b1, W2, b2):
    er = edge_index.reshape(2 * NP * NW, CH2, K)
    ones = jnp.ones((K,), jnp.float32)
    zeros1 = jnp.zeros((N,), jnp.float32)
    zeros2 = jnp.zeros((N, D), jnp.float32)

    degp = _sc_degree(er, ones, zeros1)
    x1 = _tc_mm(z, W1)
    deg = (degp[:N] + degp[N:]).reshape(N, 1)

    xs1 = _tc_scale(x1, deg)
    p1 = _sc_scatter(er, xs1, zeros2)
    xs2 = _tc_mid(p1, p1, deg, W2, b1.reshape(1, D))
    p2 = _sc_scatter(er, xs2, zeros2)
    return _tc_fin(p2, p2, deg, b2.reshape(1, D))

# --- scband reference (transcript-rebuilt; emitter-appended) ---
"""Pipeline reference for scband-my-decoder-35897336660441 (READ-ONLY COPY).

The authoritative reference and input builder live on the scoring server;
editing this copy changes nothing except your own understanding.
"""

import jax, jax.numpy as jnp
import numpy as np

N_NODES = 10000
N_EDGES = 320000
D_IN = 128
D_HID = 128
D_OUT = 128


def _glorot(key, fan_in, fan_out):
    limit = np.sqrt(6.0 / (fan_in + fan_out))
    return jax.random.uniform(key, (fan_in, fan_out), dtype=jnp.float32, minval=-limit, maxval=limit)


def setup_inputs(seed: int = 0) -> dict:
    key = jax.random.key(seed)
    k1, k2, k3, k4 = jax.random.split(key, 4)
    z = jax.random.normal(k1, (N_NODES, D_IN), dtype=jnp.float32)
    edge_index = jax.random.randint(k2, (2, N_EDGES), 0, N_NODES, dtype=jnp.int32)
    W1 = _glorot(k3, D_IN, D_HID)
    b1 = jnp.zeros((D_HID,), dtype=jnp.float32)
    W2 = _glorot(k4, D_HID, D_OUT)
    b2 = jnp.zeros((D_OUT,), dtype=jnp.float32)
    return {"z": z, "edge_index": edge_index, "W1": W1, "b1": b1, "W2": W2, "b2": b2}


def _gcn_conv(x, edge_index, W, b):
    # Faithful PyG GCNConv: linear transform, add self-loops, symmetric deg normalization, scatter-add, bias.
    n = x.shape[0]
    x = x @ W
    loop = jnp.arange(n, dtype=edge_index.dtype)
    src = jnp.concatenate([edge_index[0], loop])
    dst = jnp.concatenate([edge_index[1], loop])
    deg = jax.ops.segment_sum(jnp.ones(src.shape[0], dtype=x.dtype), dst, num_segments=n)
    deg_inv_sqrt = jnp.where(deg > 0, jax.lax.rsqrt(jnp.maximum(deg, 1e-12)), 0.0)
    norm = deg_inv_sqrt[src] * deg_inv_sqrt[dst]
    msg = norm[:, None] * jnp.take(x, src, axis=0)
    out = jax.ops.segment_sum(msg, dst, num_segments=n)
    return out + b


def reference(z, edge_index, W1, b1, W2, b2):
    h = jax.nn.relu(_gcn_conv(z, edge_index, W1, b1))
    out = _gcn_conv(h, edge_index, W2, b2)
    return out

if __name__ == "__main__":
    import jax
    _d = setup_inputs()
    print(jax.jit(kernel)(*tuple(_d.values())))

</pallas_src>

<mosaic_0001>
#map = affine_map<(d0, d1) -> (0, 0, 0)>
#map1 = affine_map<(d0, d1) -> (0, 0)>
module attributes {stable_mosaic.version = 14 : i64} {
  func.func @_sc_scatter(%arg0: i32, %arg1: i32, %arg2: memref<128x40x125xi32, #tpu.memory_space<hbm>>, %arg3: memref<10000x128xf32, #tpu.memory_space<hbm>>, %arg4: memref<10000x128xf32, #tpu.memory_space<hbm>>, %arg5: memref<2x10000x128xf32, #tpu.memory_space<hbm>>, %arg6: memref<40x125xi32, #tpu.memory_space<vmem>>, %arg7: memref<40x125xi32, #tpu.memory_space<vmem>>, %arg8: memref<125x128xf32, #tpu.memory_space<vmem>>, %arg9: memref<125x128xf32, #tpu.memory_space<vmem>>, %arg10: memref<!tpu.dma_semaphore, #tpu.memory_space<semaphore_mem>>, %arg11: memref<!tpu.dma_semaphore, #tpu.memory_space<semaphore_mem>>, %arg12: memref<10000x128xf32, #tpu.memory_space<vmem_shared>>) attributes {dimension_semantics = [#tpu.dimension_semantics<core_parallel>, #tpu.dimension_semantics<subcore_parallel>], iteration_bounds = array<i64: 2, 16>, scalar_prefetch = 0 : i64, scratch_operands = 7 : i64, tpu.core_type = #tpu.core_type<sc_vector_subcore>, window_params = [{transform_indices = #map}, {transform_indices = #map1}, {transform_indices = #map1}, {transform_indices = #map}]} {
    %mul3A = arith.constant 16 : i32
    %mul3A_0 = arith.muli %arg0, %mul3A : i32
    %add3A = arith.addi %mul3A_0, %arg1 : i32
    %lt3A = arith.constant 10 : i32
    %lt3A_1 = arith.cmpi slt, %arg1, %lt3A : i32
    %convert_element_type3A = arith.extui %lt3A_1 : i1 to i32
    %cond3A = arith.constant 0 : i32
    %cond3A_2 = arith.cmpi ne, %convert_element_type3A, %cond3A : i32
    scf.if %cond3A_2 {
      %mul3A_51 = arith.constant 1000 : i32
      %mul3A_52 = arith.muli %arg1, %mul3A_51 : i32
      %eq3A = arith.constant 0 : i32
      %eq3A_53 = arith.cmpi eq, %arg0, %eq3A : i32
      %convert_element_type3A_54 = arith.extui %eq3A_53 : i1 to i32
      %cond3A_55 = arith.constant 0 : i32
      %cond3A_56 = arith.cmpi ne, %convert_element_type3A_54, %cond3A_55 : i32
      scf.if %cond3A_56 {
        "tpu.region"() ({
          %run_scoped3A = tpu.sem_alloc : memref<!tpu.dma_semaphore, #tpu.memory_space<semaphore_mem>>
          %dma_start3A_62 = arith.constant 0 : i32
          %dma_start3A_63 = tpu.memref_slice %arg12[%mul3A_52, %dma_start3A_62] : memref<10000x128xf32, #tpu.memory_space<vmem_shared>> -> memref<1000x128xf32, #tpu.memory_space<vmem_shared>>
          %dma_start3A_64 = arith.constant 0 : i32
          %dma_start3A_65 = tpu.memref_slice %arg3[%mul3A_52, %dma_start3A_64] : memref<10000x128xf32, #tpu.memory_space<hbm>> -> memref<1000x128xf32, #tpu.memory_space<hbm>>
          tpu.enqueue_dma source(%dma_start3A_65 : memref<1000x128xf32, #tpu.memory_space<hbm>>) target(%dma_start3A_63 : memref<1000x128xf32, #tpu.memory_space<vmem_shared>>) target_semaphore(%run_scoped3A : memref<!tpu.dma_semaphore, #tpu.memory_space<semaphore_mem>>)
          %dma_wait3A = arith.constant 0 : i32
          %dma_wait3A_66 = tpu.memref_slice %arg12[%mul3A_52, %dma_wait3A] : memref<10000x128xf32, #tpu.memory_space<vmem_shared>> -> memref<1000x128xf32, #tpu.memory_space<vmem_shared>>
          %dma_wait3A_67 = arith.constant 0 : i32
          %dma_wait3A_68 = tpu.memref_slice %arg3[%mul3A_52, %dma_wait3A_67] : memref<10000x128xf32, #tpu.memory_space<hbm>> -> memref<1000x128xf32, #tpu.memory_space<hbm>>
          tpu.wait_dma2 semaphore(%run_scoped3A : memref<!tpu.dma_semaphore, #tpu.memory_space<semaphore_mem>>) src(%dma_wait3A_68 : memref<1000x128xf32, #tpu.memory_space<hbm>>) dst(%dma_wait3A_66 : memref<1000x128xf32, #tpu.memory_space<vmem_shared>>)
          tpu.yield
        }) : () -> ()
      } else {
      }
      %eq3A_57 = arith.constant 1 : i32
      %eq3A_58 = arith.cmpi eq, %arg0, %eq3A_57 : i32
      %convert_element_type3A_59 = arith.extui %eq3A_58 : i1 to i32
      %cond3A_60 = arith.constant 0 : i32
      %cond3A_61 = arith.cmpi ne, %convert_element_type3A_59, %cond3A_60 : i32
      scf.if %cond3A_61 {
        "tpu.region"() ({
          %run_scoped3A = tpu.sem_alloc : memref<!tpu.dma_semaphore, #tpu.memory_space<semaphore_mem>>
          %dma_start3A_62 = arith.constant 0 : i32
          %dma_start3A_63 = tpu.memref_slice %arg12[%mul3A_52, %dma_start3A_62] : memref<10000x128xf32, #tpu.memory_space<vmem_shared>> -> memref<1000x128xf32, #tpu.memory_space<vmem_shared>>
          %dma_start3A_64 = arith.constant 0 : i32
          %dma_start3A_65 = tpu.memref_slice %arg4[%mul3A_52, %dma_start3A_64] : memref<10000x128xf32, #tpu.memory_space<hbm>> -> memref<1000x128xf32, #tpu.memory_space<hbm>>
          tpu.enqueue_dma source(%dma_start3A_65 : memref<1000x128xf32, #tpu.memory_space<hbm>>) target(%dma_start3A_63 : memref<1000x128xf32, #tpu.memory_space<vmem_shared>>) target_semaphore(%run_scoped3A : memref<!tpu.dma_semaphore, #tpu.memory_space<semaphore_mem>>)
          %dma_wait3A = arith.constant 0 : i32
          %dma_wait3A_66 = tpu.memref_slice %arg12[%mul3A_52, %dma_wait3A] : memref<10000x128xf32, #tpu.memory_space<vmem_shared>> -> memref<1000x128xf32, #tpu.memory_space<vmem_shared>>
          %dma_wait3A_67 = arith.constant 0 : i32
          %dma_wait3A_68 = tpu.memref_slice %arg4[%mul3A_52, %dma_wait3A_67] : memref<10000x128xf32, #tpu.memory_space<hbm>> -> memref<1000x128xf32, #tpu.memory_space<hbm>>
          tpu.wait_dma2 semaphore(%run_scoped3A : memref<!tpu.dma_semaphore, #tpu.memory_space<semaphore_mem>>) src(%dma_wait3A_68 : memref<1000x128xf32, #tpu.memory_space<hbm>>) dst(%dma_wait3A_66 : memref<1000x128xf32, #tpu.memory_space<vmem_shared>>)
          tpu.yield
        }) : () -> ()
      } else {
      }
    } else {
    }
    %barrier3A = arith.constant 0 : index
    tpu.barrier barrier_id(%barrier3A)
    %mul3A_3 = arith.constant 2 : i32
    %mul3A_4 = arith.muli %mul3A_3, %add3A : i32
    %add3A_5 = arith.constant 0 : i32
    %add3A_6 = arith.addi %mul3A_4, %add3A_5 : i32
    "tpu.region"() ({
      %run_scoped3A = tpu.sem_alloc : memref<!tpu.dma_semaphore, #tpu.memory_space<semaphore_mem>>
      %dma_start3A_51 = arith.constant 0 : i32
      %dma_start3A_52 = arith.constant 0 : i32
      %dma_start3A_53 = tpu.memref_slice %arg2[%add3A_6, %dma_start3A_51, %dma_start3A_52] : memref<128x40x125xi32, #tpu.memory_space<hbm>> -> memref<1x40x125xi32, #tpu.memory_space<hbm>>
      %dma_start3A_54 = tpu.memref_squeeze %dma_start3A_53 : memref<1x40x125xi32, #tpu.memory_space<hbm>> -> memref<40x125xi32, #tpu.memory_space<hbm>>
      %dma_start3A_55 = arith.constant 0 : i32
      %dma_start3A_56 = arith.constant 0 : i32
      %dma_start3A_57 = tpu.memref_slice %arg2[%add3A_6, %dma_start3A_55, %dma_start3A_56] : memref<128x40x125xi32, #tpu.memory_space<hbm>> -> memref<1x40x125xi32, #tpu.memory_space<hbm>>
      %dma_start3A_58 = tpu.memref_squeeze %dma_start3A_57 : memref<1x40x125xi32, #tpu.memory_space<hbm>> -> memref<40x125xi32, #tpu.memory_space<hbm>>
      tpu.enqueue_dma source(%dma_start3A_58 : memref<40x125xi32, #tpu.memory_space<hbm>>) target(%arg6 : memref<40x125xi32, #tpu.memory_space<vmem>>) target_semaphore(%run_scoped3A : memref<!tpu.dma_semaphore, #tpu.memory_space<semaphore_mem>>)
      %dma_wait3A = arith.constant 0 : i32
      %dma_wait3A_59 = arith.constant 0 : i32
      %dma_wait3A_60 = tpu.memref_slice %arg2[%add3A_6, %dma_wait3A, %dma_wait3A_59] : memref<128x40x125xi32, #tpu.memory_space<hbm>> -> memref<1x40x125xi32, #tpu.memory_space<hbm>>
      %dma_wait3A_61 = tpu.memref_squeeze %dma_wait3A_60 : memref<1x40x125xi32, #tpu.memory_space<hbm>> -> memref<40x125xi32, #tpu.memory_space<hbm>>
      %dma_wait3A_62 = arith.constant 0 : i32
      %dma_wait3A_63 = arith.constant 0 : i32
      %dma_wait3A_64 = tpu.memref_slice %arg2[%add3A_6, %dma_wait3A_62, %dma_wait3A_63] : memref<128x40x125xi32, #tpu.memory_space<hbm>> -> memref<1x40x125xi32, #tpu.memory_space<hbm>>
      %dma_wait3A_65 = tpu.memref_squeeze %dma_wait3A_64 : memref<1x40x125xi32, #tpu.memory_space<hbm>> -> memref<40x125xi32, #tpu.memory_space<hbm>>
      tpu.wait_dma2 semaphore(%run_scoped3A : memref<!tpu.dma_semaphore, #tpu.memory_space<semaphore_mem>>) src(%dma_wait3A_65 : memref<40x125xi32, #tpu.memory_space<hbm>>) dst(%arg6 : memref<40x125xi32, #tpu.memory_space<vmem>>)
      tpu.yield
    }) : () -> ()
    %mul3A_7 = arith.constant 2 : i32
    %mul3A_8 = arith.muli %mul3A_7, %add3A : i32
    %add3A_9 = arith.constant 64 : i32
    %add3A_10 = arith.addi %add3A_9, %mul3A_8 : i32
    %add3A_11 = arith.constant 0 : i32
    %add3A_12 = arith.addi %add3A_10, %add3A_11 : i32
    "tpu.region"() ({
      %run_scoped3A = tpu.sem_alloc : memref<!tpu.dma_semaphore, #tpu.memory_space<semaphore_mem>>
      %dma_start3A_51 = arith.constant 0 : i32
      %dma_start3A_52 = arith.constant 0 : i32
      %dma_start3A_53 = tpu.memref_slice %arg2[%add3A_12, %dma_start3A_51, %dma_start3A_52] : memref<128x40x125xi32, #tpu.memory_space<hbm>> -> memref<1x40x125xi32, #tpu.memory_space<hbm>>
      %dma_start3A_54 = tpu.memref_squeeze %dma_start3A_53 : memref<1x40x125xi32, #tpu.memory_space<hbm>> -> memref<40x125xi32, #tpu.memory_space<hbm>>
      %dma_start3A_55 = arith.constant 0 : i32
      %dma_start3A_56 = arith.constant 0 : i32
      %dma_start3A_57 = tpu.memref_slice %arg2[%add3A_12, %dma_start3A_55, %dma_start3A_56] : memref<128x40x125xi32, #tpu.memory_space<hbm>> -> memref<1x40x125xi32, #tpu.memory_space<hbm>>
      %dma_start3A_58 = tpu.memref_squeeze %dma_start3A_57 : memref<1x40x125xi32, #tpu.memory_space<hbm>> -> memref<40x125xi32, #tpu.memory_space<hbm>>
      tpu.enqueue_dma source(%dma_start3A_58 : memref<40x125xi32, #tpu.memory_space<hbm>>) target(%arg7 : memref<40x125xi32, #tpu.memory_space<vmem>>) target_semaphore(%run_scoped3A : memref<!tpu.dma_semaphore, #tpu.memory_space<semaphore_mem>>)
      %dma_wait3A = arith.constant 0 : i32
      %dma_wait3A_59 = arith.constant 0 : i32
      %dma_wait3A_60 = tpu.memref_slice %arg2[%add3A_12, %dma_wait3A, %dma_wait3A_59] : memref<128x40x125xi32, #tpu.memory_space<hbm>> -> memref<1x40x125xi32, #tpu.memory_space<hbm>>
      %dma_wait3A_61 = tpu.memref_squeeze %dma_wait3A_60 : memref<1x40x125xi32, #tpu.memory_space<hbm>> -> memref<40x125xi32, #tpu.memory_space<hbm>>
      %dma_wait3A_62 = arith.constant 0 : i32
      %dma_wait3A_63 = arith.constant 0 : i32
      %dma_wait3A_64 = tpu.memref_slice %arg2[%add3A_12, %dma_wait3A_62, %dma_wait3A_63] : memref<128x40x125xi32, #tpu.memory_space<hbm>> -> memref<1x40x125xi32, #tpu.memory_space<hbm>>
      %dma_wait3A_65 = tpu.memref_squeeze %dma_wait3A_64 : memref<1x40x125xi32, #tpu.memory_space<hbm>> -> memref<40x125xi32, #tpu.memory_space<hbm>>
      tpu.wait_dma2 semaphore(%run_scoped3A : memref<!tpu.dma_semaphore, #tpu.memory_space<semaphore_mem>>) src(%dma_wait3A_65 : memref<40x125xi32, #tpu.memory_space<hbm>>) dst(%arg7 : memref<40x125xi32, #tpu.memory_space<vmem>>)
      tpu.yield
    }) : () -> ()
    %dma_start3A = arith.constant 0 : i32
    %dma_start3A_13 = arith.constant 0 : i32
    %dma_start3A_14 = tpu.memref_slice %arg6[%dma_start3A, %dma_start3A_13] : memref<40x125xi32, #tpu.memory_space<vmem>> -> memref<1x125xi32, #tpu.memory_space<vmem>>
    %dma_start3A_15 = tpu.memref_squeeze %dma_start3A_14 : memref<1x125xi32, #tpu.memory_space<vmem>> -> memref<125xi32, #tpu.memory_space<vmem>>
    %dma_start3A_16 = arith.constant 0 : i32
    %dma_start3A_17 = arith.constant 0 : i32
    %dma_start3A_18 = tpu.memref_slice %arg3[%dma_start3A_16, %dma_start3A_17] : memref<10000x128xf32, #tpu.memory_space<hbm>> -> memref<10000x128xf32, #tpu.memory_space<hbm>>
    tpu.enqueue_indirect_dma source(%dma_start3A_18 : memref<10000x128xf32, #tpu.memory_space<hbm>>) target(%arg8 : memref<125x128xf32, #tpu.memory_space<vmem>>) offsets(%dma_start3A_15 : memref<125xi32, #tpu.memory_space<vmem>>) semaphore(%arg10 : memref<!tpu.dma_semaphore, #tpu.memory_space<semaphore_mem>>)
    %scan3A = arith.constant 0 : i32
    %scan3A_19 = arith.constant 40 : i32
    %scan3A_20 = arith.addi %scan3A, %scan3A_19 : i32
    %scan3A_21 = arith.constant 1 : i32
    scf.for %scan3A_51 = %scan3A to %scan3A_20 step %scan3A_21  : i32 {
      %mul3A_52 = arith.constant 1 : i32
      %mul3A_53 = arith.muli %scan3A_51, %mul3A_52 : i32
      %add3A_54 = arith.constant 0 : i32
      %add3A_55 = arith.addi %add3A_54, %mul3A_53 : i32
      %jit3A = arith.constant 2 : i32
      %eq3A = arith.constant 0 : i32
      %eq3A_56 = arith.cmpi eq, %jit3A, %eq3A : i32
      %jit3A_57 = arith.constant 1 : i32
      %select_n3A = arith.select %eq3A_56, %jit3A_57, %jit3A : i32
      %rem3A = arith.remsi %add3A_55, %select_n3A : i32
      %ne3A = arith.constant 0 : i32
      %ne3A_58 = arith.cmpi ne, %rem3A, %ne3A : i32
      %lt3A_59 = arith.constant 0 : i32
      %lt3A_60 = arith.cmpi slt, %rem3A, %lt3A_59 : i32
      %lt3A_61 = arith.constant 0 : i32
      %lt3A_62 = arith.cmpi slt, %select_n3A, %lt3A_61 : i32
      %ne3A_63 = arith.xori %lt3A_60, %lt3A_62 : i1
      %and3A = arith.andi %ne3A_63, %ne3A_58 : i1
      %add3A_64 = arith.addi %rem3A, %select_n3A : i32
      %select_n3A_65 = arith.select %and3A, %add3A_64, %rem3A : i32
      %eq3A_66 = arith.constant 0 : i32
      %eq3A_67 = arith.cmpi eq, %select_n3A_65, %eq3A_66 : i32
      %convert_element_type3A_68 = arith.extui %eq3A_67 : i1 to i32
      %cond3A_69 = arith.constant 0 : i32
      %cond3A_70 = arith.cmpi ne, %convert_element_type3A_68, %cond3A_69 : i32
      scf.if %cond3A_70 {
        %lt3A_92 = arith.constant 39 : i32
        %lt3A_93 = arith.cmpi slt, %add3A_55, %lt3A_92 : i32
        %convert_element_type3A_94 = arith.extui %lt3A_93 : i1 to i32
        %cond3A_95 = arith.constant 0 : i32
        %cond3A_96 = arith.cmpi ne, %convert_element_type3A_94, %cond3A_95 : i32
        scf.if %cond3A_96 {
          %add3A_102 = arith.constant 1 : i32
          %add3A_103 = arith.addi %add3A_55, %add3A_102 : i32
          %dma_start3A_104 = arith.constant 0 : i32
          %dma_start3A_105 = tpu.memref_slice %arg6[%add3A_103, %dma_start3A_104] : memref<40x125xi32, #tpu.memory_space<vmem>> -> memref<1x125xi32, #tpu.memory_space<vmem>>
          %dma_start3A_106 = tpu.memref_squeeze %dma_start3A_105 : memref<1x125xi32, #tpu.memory_space<vmem>> -> memref<125xi32, #tpu.memory_space<vmem>>
          %dma_start3A_107 = arith.constant 0 : i32
          %dma_start3A_108 = arith.constant 0 : i32
          %dma_start3A_109 = tpu.memref_slice %arg3[%dma_start3A_107, %dma_start3A_108] : memref<10000x128xf32, #tpu.memory_space<hbm>> -> memref<10000x128xf32, #tpu.memory_space<hbm>>
          tpu.enqueue_indirect_dma source(%dma_start3A_109 : memref<10000x128xf32, #tpu.memory_space<hbm>>) target(%arg9 : memref<125x128xf32, #tpu.memory_space<vmem>>) offsets(%dma_start3A_106 : memref<125xi32, #tpu.memory_space<vmem>>) semaphore(%arg11 : memref<!tpu.dma_semaphore, #tpu.memory_space<semaphore_mem>>)
        } else {
        }
        %dma_wait3A = arith.constant 0 : i32
        %dma_wait3A_97 = tpu.memref_slice %arg6[%add3A_55, %dma_wait3A] : memref<40x125xi32, #tpu.memory_space<vmem>> -> memref<1x125xi32, #tpu.memory_space<vmem>>
        %dma_wait3A_98 = tpu.memref_squeeze %dma_wait3A_97 : memref<1x125xi32, #tpu.memory_space<vmem>> -> memref<125xi32, #tpu.memory_space<vmem>>
        %dma_wait3A_99 = arith.constant 0 : i32
        %dma_wait3A_100 = arith.constant 0 : i32
        %dma_wait3A_101 = tpu.memref_slice %arg3[%dma_wait3A_99, %dma_wait3A_100] : memref<10000x128xf32, #tpu.memory_space<hbm>> -> memref<10000x128xf32, #tpu.memory_space<hbm>>
        tpu.wait_indirect_dma semaphore(%arg10 : memref<!tpu.dma_semaphore, #tpu.memory_space<semaphore_mem>>) src(%dma_wait3A_101 : memref<10000x128xf32, #tpu.memory_space<hbm>>) dst(%arg8 : memref<125x128xf32, #tpu.memory_space<vmem>>)
        "tpu.region"() ({
          %run_scoped3A = tpu.sem_alloc : memref<!tpu.dma_semaphore, #tpu.memory_space<semaphore_mem>>
          %dma_start3A_102 = arith.constant 0 : i32
          %dma_start3A_103 = tpu.memref_slice %arg7[%add3A_55, %dma_start3A_102] : memref<40x125xi32, #tpu.memory_space<vmem>> -> memref<1x125xi32, #tpu.memory_space<vmem>>
          %dma_start3A_104 = tpu.memref_squeeze %dma_start3A_103 : memref<1x125xi32, #tpu.memory_space<vmem>> -> memref<125xi32, #tpu.memory_space<vmem>>
          %dma_start3A_105 = arith.constant 0 : i32
          %dma_start3A_106 = arith.constant 0 : i32
          %dma_start3A_107 = tpu.memref_slice %arg12[%dma_start3A_105, %dma_start3A_106] : memref<10000x128xf32, #tpu.memory_space<vmem_shared>> -> memref<10000x128xf32, #tpu.memory_space<vmem_shared>>
          tpu.enqueue_indirect_dma source(%arg8 : memref<125x128xf32, #tpu.memory_space<vmem>>) target(%dma_start3A_107 : memref<10000x128xf32, #tpu.memory_space<vmem_shared>>) offsets(%dma_start3A_104 : memref<125xi32, #tpu.memory_space<vmem>>) semaphore(%run_scoped3A : memref<!tpu.dma_semaphore, #tpu.memory_space<semaphore_mem>>) {add = true}
          %dma_wait3A_108 = arith.constant 0 : i32
          %dma_wait3A_109 = tpu.memref_slice %arg7[%add3A_55, %dma_wait3A_108] : memref<40x125xi32, #tpu.memory_space<vmem>> -> memref<1x125xi32, #tpu.memory_space<vmem>>
          %dma_wait3A_110 = tpu.memref_squeeze %dma_wait3A_109 : memref<1x125xi32, #tpu.memory_space<vmem>> -> memref<125xi32, #tpu.memory_space<vmem>>
          %dma_wait3A_111 = arith.constant 0 : i32
          %dma_wait3A_112 = arith.constant 0 : i32
          %dma_wait3A_113 = tpu.memref_slice %arg12[%dma_wait3A_111, %dma_wait3A_112] : memref<10000x128xf32, #tpu.memory_space<vmem_shared>> -> memref<10000x128xf32, #tpu.memory_space<vmem_shared>>
          tpu.wait_indirect_dma semaphore(%run_scoped3A : memref<!tpu.dma_semaphore, #tpu.memory_space<semaphore_mem>>) src(%arg8 : memref<125x128xf32, #tpu.memory_space<vmem>>) dst(%dma_wait3A_113 : memref<10000x128xf32, #tpu.memory_space<vmem_shared>>)
          tpu.yield
        }) : () -> ()
      } else {
      }
      %jit3A_71 = arith.constant 2 : i32
      %eq3A_72 = arith.constant 0 : i32
      %eq3A_73 = arith.cmpi eq, %jit3A_71, %eq3A_72 : i32
      %jit3A_74 = arith.constant 1 : i32
      %select_n3A_75 = arith.select %eq3A_73, %jit3A_74, %jit3A_71 : i32
      %rem3A_76 = arith.remsi %add3A_55, %select_n3A_75 : i32
      %ne3A_77 = arith.constant 0 : i32
      %ne3A_78 = arith.cmpi ne, %rem3A_76, %ne3A_77 : i32
      %lt3A_79 = arith.constant 0 : i32
      %lt3A_80 = arith.cmpi slt, %rem3A_76, %lt3A_79 : i32
      %lt3A_81 = arith.constant 0 : i32
      %lt3A_82 = arith.cmpi slt, %select_n3A_75, %lt3A_81 : i32
      %ne3A_83 = arith.xori %lt3A_80, %lt3A_82 : i1
      %and3A_84 = arith.andi %ne3A_83, %ne3A_78 : i1
      %add3A_85 = arith.addi %rem3A_76, %select_n3A_75 : i32
      %select_n3A_86 = arith.select %and3A_84, %add3A_85, %rem3A_76 : i32
      %eq3A_87 = arith.constant 1 : i32
      %eq3A_88 = arith.cmpi eq, %select_n3A_86, %eq3A_87 : i32
      %convert_element_type3A_89 = arith.extui %eq3A_88 : i1 to i32
      %cond3A_90 = arith.constant 0 : i32
      %cond3A_91 = arith.cmpi ne, %convert_element_type3A_89, %cond3A_90 : i32
      scf.if %cond3A_91 {
        %lt3A_92 = arith.constant 39 : i32
        %lt3A_93 = arith.cmpi slt, %add3A_55, %lt3A_92 : i32
        %convert_element_type3A_94 = arith.extui %lt3A_93 : i1 to i32
        %cond3A_95 = arith.constant 0 : i32
        %cond3A_96 = arith.cmpi ne, %convert_element_type3A_94, %cond3A_95 : i32
        scf.if %cond3A_96 {
          %add3A_102 = arith.constant 1 : i32
          %add3A_103 = arith.addi %add3A_55, %add3A_102 : i32
          %dma_start3A_104 = arith.constant 0 : i32
          %dma_start3A_105 = tpu.memref_slice %arg6[%add3A_103, %dma_start3A_104] : memref<40x125xi32, #tpu.memory_space<vmem>> -> memref<1x125xi32, #tpu.memory_space<vmem>>
          %dma_start3A_106 = tpu.memref_squeeze %dma_start3A_105 : memref<1x125xi32, #tpu.memory_space<vmem>> -> memref<125xi32, #tpu.memory_space<vmem>>
          %dma_start3A_107 = arith.constant 0 : i32
          %dma_start3A_108 = arith.constant 0 : i32
          %dma_start3A_109 = tpu.memref_slice %arg3[%dma_start3A_107, %dma_start3A_108] : memref<10000x128xf32, #tpu.memory_space<hbm>> -> memref<10000x128xf32, #tpu.memory_space<hbm>>
          tpu.enqueue_indirect_dma source(%dma_start3A_109 : memref<10000x128xf32, #tpu.memory_space<hbm>>) target(%arg8 : memref<125x128xf32, #tpu.memory_space<vmem>>) offsets(%dma_start3A_106 : memref<125xi32, #tpu.memory_space<vmem>>) semaphore(%arg10 : memref<!tpu.dma_semaphore, #tpu.memory_space<semaphore_mem>>)
        } else {
        }
        %dma_wait3A = arith.constant 0 : i32
        %dma_wait3A_97 = tpu.memref_slice %arg6[%add3A_55, %dma_wait3A] : memref<40x125xi32, #tpu.memory_space<vmem>> -> memref<1x125xi32, #tpu.memory_space<vmem>>
        %dma_wait3A_98 = tpu.memref_squeeze %dma_wait3A_97 : memref<1x125xi32, #tpu.memory_space<vmem>> -> memref<125xi32, #tpu.memory_space<vmem>>
        %dma_wait3A_99 = arith.constant 0 : i32
        %dma_wait3A_100 = arith.constant 0 : i32
        %dma_wait3A_101 = tpu.memref_slice %arg3[%dma_wait3A_99, %dma_wait3A_100] : memref<10000x128xf32, #tpu.memory_space<hbm>> -> memref<10000x128xf32, #tpu.memory_space<hbm>>
        tpu.wait_indirect_dma semaphore(%arg11 : memref<!tpu.dma_semaphore, #tpu.memory_space<semaphore_mem>>) src(%dma_wait3A_101 : memref<10000x128xf32, #tpu.memory_space<hbm>>) dst(%arg9 : memref<125x128xf32, #tpu.memory_space<vmem>>)
        "tpu.region"() ({
          %run_scoped3A = tpu.sem_alloc : memref<!tpu.dma_semaphore, #tpu.memory_space<semaphore_mem>>
          %dma_start3A_102 = arith.constant 0 : i32
          %dma_start3A_103 = tpu.memref_slice %arg7[%add3A_55, %dma_start3A_102] : memref<40x125xi32, #tpu.memory_space<vmem>> -> memref<1x125xi32, #tpu.memory_space<vmem>>
          %dma_start3A_104 = tpu.memref_squeeze %dma_start3A_103 : memref<1x125xi32, #tpu.memory_space<vmem>> -> memref<125xi32, #tpu.memory_space<vmem>>
          %dma_start3A_105 = arith.constant 0 : i32
          %dma_start3A_106 = arith.constant 0 : i32
          %dma_start3A_107 = tpu.memref_slice %arg12[%dma_start3A_105, %dma_start3A_106] : memref<10000x128xf32, #tpu.memory_space<vmem_shared>> -> memref<10000x128xf32, #tpu.memory_space<vmem_shared>>
          tpu.enqueue_indirect_dma source(%arg9 : memref<125x128xf32, #tpu.memory_space<vmem>>) target(%dma_start3A_107 : memref<10000x128xf32, #tpu.memory_space<vmem_shared>>) offsets(%dma_start3A_104 : memref<125xi32, #tpu.memory_space<vmem>>) semaphore(%run_scoped3A : memref<!tpu.dma_semaphore, #tpu.memory_space<semaphore_mem>>) {add = true}
          %dma_wait3A_108 = arith.constant 0 : i32
          %dma_wait3A_109 = tpu.memref_slice %arg7[%add3A_55, %dma_wait3A_108] : memref<40x125xi32, #tpu.memory_space<vmem>> -> memref<1x125xi32, #tpu.memory_space<vmem>>
          %dma_wait3A_110 = tpu.memref_squeeze %dma_wait3A_109 : memref<1x125xi32, #tpu.memory_space<vmem>> -> memref<125xi32, #tpu.memory_space<vmem>>
          %dma_wait3A_111 = arith.constant 0 : i32
          %dma_wait3A_112 = arith.constant 0 : i32
          %dma_wait3A_113 = tpu.memref_slice %arg12[%dma_wait3A_111, %dma_wait3A_112] : memref<10000x128xf32, #tpu.memory_space<vmem_shared>> -> memref<10000x128xf32, #tpu.memory_space<vmem_shared>>
          tpu.wait_indirect_dma semaphore(%run_scoped3A : memref<!tpu.dma_semaphore, #tpu.memory_space<semaphore_mem>>) src(%arg9 : memref<125x128xf32, #tpu.memory_space<vmem>>) dst(%dma_wait3A_113 : memref<10000x128xf32, #tpu.memory_space<vmem_shared>>)
          tpu.yield
        }) : () -> ()
      } else {
      }
    }
    %scan3A_22 = arith.constant 40 : i32
    %mul3A_23 = arith.constant 2 : i32
    %mul3A_24 = arith.muli %mul3A_23, %add3A : i32
    %add3A_25 = arith.constant 1 : i32
    %add3A_26 = arith.addi %mul3A_24, %add3A_25 : i32
    "tpu.region"() ({
      %run_scoped3A = tpu.sem_alloc : memref<!tpu.dma_semaphore, #tpu.memory_space<semaphore_mem>>
      %dma_start3A_51 = arith.constant 0 : i32
      %dma_start3A_52 = arith.constant 0 : i32
      %dma_start3A_53 = tpu.memref_slice %arg2[%add3A_26, %dma_start3A_51, %dma_start3A_52] : memref<128x40x125xi32, #tpu.memory_space<hbm>> -> memref<1x40x125xi32, #tpu.memory_space<hbm>>
      %dma_start3A_54 = tpu.memref_squeeze %dma_start3A_53 : memref<1x40x125xi32, #tpu.memory_space<hbm>> -> memref<40x125xi32, #tpu.memory_space<hbm>>
      %dma_start3A_55 = arith.constant 0 : i32
      %dma_start3A_56 = arith.constant 0 : i32
      %dma_start3A_57 = tpu.memref_slice %arg2[%add3A_26, %dma_start3A_55, %dma_start3A_56] : memref<128x40x125xi32, #tpu.memory_space<hbm>> -> memref<1x40x125xi32, #tpu.memory_space<hbm>>
      %dma_start3A_58 = tpu.memref_squeeze %dma_start3A_57 : memref<1x40x125xi32, #tpu.memory_space<hbm>> -> memref<40x125xi32, #tpu.memory_space<hbm>>
      tpu.enqueue_dma source(%dma_start3A_58 : memref<40x125xi32, #tpu.memory_space<hbm>>) target(%arg6 : memref<40x125xi32, #tpu.memory_space<vmem>>) target_semaphore(%run_scoped3A : memref<!tpu.dma_semaphore, #tpu.memory_space<semaphore_mem>>)
      %dma_wait3A = arith.constant 0 : i32
      %dma_wait3A_59 = arith.constant 0 : i32
      %dma_wait3A_60 = tpu.memref_slice %arg2[%add3A_26, %dma_wait3A, %dma_wait3A_59] : memref<128x40x125xi32, #tpu.memory_space<hbm>> -> memref<1x40x125xi32, #tpu.memory_space<hbm>>
      %dma_wait3A_61 = tpu.memref_squeeze %dma_wait3A_60 : memref<1x40x125xi32, #tpu.memory_space<hbm>> -> memref<40x125xi32, #tpu.memory_space<hbm>>
      %dma_wait3A_62 = arith.constant 0 : i32
      %dma_wait3A_63 = arith.constant 0 : i32
      %dma_wait3A_64 = tpu.memref_slice %arg2[%add3A_26, %dma_wait3A_62, %dma_wait3A_63] : memref<128x40x125xi32, #tpu.memory_space<hbm>> -> memref<1x40x125xi32, #tpu.memory_space<hbm>>
      %dma_wait3A_65 = tpu.memref_squeeze %dma_wait3A_64 : memref<1x40x125xi32, #tpu.memory_space<hbm>> -> memref<40x125xi32, #tpu.memory_space<hbm>>
      tpu.wait_dma2 semaphore(%run_scoped3A : memref<!tpu.dma_semaphore, #tpu.memory_space<semaphore_mem>>) src(%dma_wait3A_65 : memref<40x125xi32, #tpu.memory_space<hbm>>) dst(%arg6 : memref<40x125xi32, #tpu.memory_space<vmem>>)
      tpu.yield
    }) : () -> ()
    %mul3A_27 = arith.constant 2 : i32
    %mul3A_28 = arith.muli %mul3A_27, %add3A : i32
    %add3A_29 = arith.constant 64 : i32
    %add3A_30 = arith.addi %add3A_29, %mul3A_28 : i32
    %add3A_31 = arith.constant 1 : i32
    %add3A_32 = arith.addi %add3A_30, %add3A_31 : i32
    "tpu.region"() ({
      %run_scoped3A = tpu.sem_alloc : memref<!tpu.dma_semaphore, #tpu.memory_space<semaphore_mem>>
      %dma_start3A_51 = arith.constant 0 : i32
      %dma_start3A_52 = arith.constant 0 : i32
      %dma_start3A_53 = tpu.memref_slice %arg2[%add3A_32, %dma_start3A_51, %dma_start3A_52] : memref<128x40x125xi32, #tpu.memory_space<hbm>> -> memref<1x40x125xi32, #tpu.memory_space<hbm>>
      %dma_start3A_54 = tpu.memref_squeeze %dma_start3A_53 : memref<1x40x125xi32, #tpu.memory_space<hbm>> -> memref<40x125xi32, #tpu.memory_space<hbm>>
      %dma_start3A_55 = arith.constant 0 : i32
      %dma_start3A_56 = arith.constant 0 : i32
      %dma_start3A_57 = tpu.memref_slice %arg2[%add3A_32, %dma_start3A_55, %dma_start3A_56] : memref<128x40x125xi32, #tpu.memory_space<hbm>> -> memref<1x40x125xi32, #tpu.memory_space<hbm>>
      %dma_start3A_58 = tpu.memref_squeeze %dma_start3A_57 : memref<1x40x125xi32, #tpu.memory_space<hbm>> -> memref<40x125xi32, #tpu.memory_space<hbm>>
      tpu.enqueue_dma source(%dma_start3A_58 : memref<40x125xi32, #tpu.memory_space<hbm>>) target(%arg7 : memref<40x125xi32, #tpu.memory_space<vmem>>) target_semaphore(%run_scoped3A : memref<!tpu.dma_semaphore, #tpu.memory_space<semaphore_mem>>)
      %dma_wait3A = arith.constant 0 : i32
      %dma_wait3A_59 = arith.constant 0 : i32
      %dma_wait3A_60 = tpu.memref_slice %arg2[%add3A_32, %dma_wait3A, %dma_wait3A_59] : memref<128x40x125xi32, #tpu.memory_space<hbm>> -> memref<1x40x125xi32, #tpu.memory_space<hbm>>
      %dma_wait3A_61 = tpu.memref_squeeze %dma_wait3A_60 : memref<1x40x125xi32, #tpu.memory_space<hbm>> -> memref<40x125xi32, #tpu.memory_space<hbm>>
      %dma_wait3A_62 = arith.constant 0 : i32
      %dma_wait3A_63 = arith.constant 0 : i32
      %dma_wait3A_64 = tpu.memref_slice %arg2[%add3A_32, %dma_wait3A_62, %dma_wait3A_63] : memref<128x40x125xi32, #tpu.memory_space<hbm>> -> memref<1x40x125xi32, #tpu.memory_space<hbm>>
      %dma_wait3A_65 = tpu.memref_squeeze %dma_wait3A_64 : memref<1x40x125xi32, #tpu.memory_space<hbm>> -> memref<40x125xi32, #tpu.memory_space<hbm>>
      tpu.wait_dma2 semaphore(%run_scoped3A : memref<!tpu.dma_semaphore, #tpu.memory_space<semaphore_mem>>) src(%dma_wait3A_65 : memref<40x125xi32, #tpu.memory_space<hbm>>) dst(%arg7 : memref<40x125xi32, #tpu.memory_space<vmem>>)
      tpu.yield
    }) : () -> ()
    %dma_start3A_33 = arith.constant 0 : i32
    %dma_start3A_34 = arith.constant 0 : i32
    %dma_start3A_35 = tpu.memref_slice %arg6[%dma_start3A_33, %dma_start3A_34] : memref<40x125xi32, #tpu.memory_space<vmem>> -> memref<1x125xi32, #tpu.memory_space<vmem>>
    %dma_start3A_36 = tpu.memref_squeeze %dma_start3A_35 : memref<1x125xi32, #tpu.memory_space<vmem>> -> memref<125xi32, #tpu.memory_space<vmem>>
    %dma_start3A_37 = arith.constant 0 : i32
    %dma_start3A_38 = arith.constant 0 : i32
    %dma_start3A_39 = tpu.memref_slice %arg3[%dma_start3A_37, %dma_start3A_38] : memref<10000x128xf32, #tpu.memory_space<hbm>> -> memref<10000x128xf32, #tpu.memory_space<hbm>>
    tpu.enqueue_indirect_dma source(%dma_start3A_39 : memref<10000x128xf32, #tpu.memory_space<hbm>>) target(%arg8 : memref<125x128xf32, #tpu.memory_space<vmem>>) offsets(%dma_start3A_36 : memref<125xi32, #tpu.memory_space<vmem>>) semaphore(%arg10 : memref<!tpu.dma_semaphore, #tpu.memory_space<semaphore_mem>>)
    %scan3A_40 = arith.constant 0 : i32
    %scan3A_41 = arith.constant 40 : i32
    %scan3A_42 = arith.addi %scan3A_40, %scan3A_41 : i32
    %scan3A_43 = arith.constant 1 : i32
    scf.for %scan3A_51 = %scan3A_40 to %scan3A_42 step %scan3A_43  : i32 {
      %mul3A_52 = arith.constant 1 : i32
      %mul3A_53 = arith.muli %scan3A_51, %mul3A_52 : i32
      %add3A_54 = arith.constant 0 : i32
      %add3A_55 = arith.addi %add3A_54, %mul3A_53 : i32
      %jit3A = arith.constant 2 : i32
      %eq3A = arith.constant 0 : i32
      %eq3A_56 = arith.cmpi eq, %jit3A, %eq3A : i32
      %jit3A_57 = arith.constant 1 : i32
      %select_n3A = arith.select %eq3A_56, %jit3A_57, %jit3A : i32
      %rem3A = arith.remsi %add3A_55, %select_n3A : i32
      %ne3A = arith.constant 0 : i32
      %ne3A_58 = arith.cmpi ne, %rem3A, %ne3A : i32
      %lt3A_59 = arith.constant 0 : i32
      %lt3A_60 = arith.cmpi slt, %rem3A, %lt3A_59 : i32
      %lt3A_61 = arith.constant 0 : i32
      %lt3A_62 = arith.cmpi slt, %select_n3A, %lt3A_61 : i32
      %ne3A_63 = arith.xori %lt3A_60, %lt3A_62 : i1
      %and3A = arith.andi %ne3A_63, %ne3A_58 : i1
      %add3A_64 = arith.addi %rem3A, %select_n3A : i32
      %select_n3A_65 = arith.select %and3A, %add3A_64, %rem3A : i32
      %eq3A_66 = arith.constant 0 : i32
      %eq3A_67 = arith.cmpi eq, %select_n3A_65, %eq3A_66 : i32
      %convert_element_type3A_68 = arith.extui %eq3A_67 : i1 to i32
      %cond3A_69 = arith.constant 0 : i32
      %cond3A_70 = arith.cmpi ne, %convert_element_type3A_68, %cond3A_69 : i32
      scf.if %cond3A_70 {
        %lt3A_92 = arith.constant 39 : i32
        %lt3A_93 = arith.cmpi slt, %add3A_55, %lt3A_92 : i32
        %convert_element_type3A_94 = arith.extui %lt3A_93 : i1 to i32
        %cond3A_95 = arith.constant 0 : i32
        %cond3A_96 = arith.cmpi ne, %convert_element_type3A_94, %cond3A_95 : i32
        scf.if %cond3A_96 {
          %add3A_102 = arith.constant 1 : i32
          %add3A_103 = arith.addi %add3A_55, %add3A_102 : i32
          %dma_start3A_104 = arith.constant 0 : i32
          %dma_start3A_105 = tpu.memref_slice %arg6[%add3A_103, %dma_start3A_104] : memref<40x125xi32, #tpu.memory_space<vmem>> -> memref<1x125xi32, #tpu.memory_space<vmem>>
          %dma_start3A_106 = tpu.memref_squeeze %dma_start3A_105 : memref<1x125xi32, #tpu.memory_space<vmem>> -> memref<125xi32, #tpu.memory_space<vmem>>
          %dma_start3A_107 = arith.constant 0 : i32
          %dma_start3A_108 = arith.constant 0 : i32
          %dma_start3A_109 = tpu.memref_slice %arg3[%dma_start3A_107, %dma_start3A_108] : memref<10000x128xf32, #tpu.memory_space<hbm>> -> memref<10000x128xf32, #tpu.memory_space<hbm>>
          tpu.enqueue_indirect_dma source(%dma_start3A_109 : memref<10000x128xf32, #tpu.memory_space<hbm>>) target(%arg9 : memref<125x128xf32, #tpu.memory_space<vmem>>) offsets(%dma_start3A_106 : memref<125xi32, #tpu.memory_space<vmem>>) semaphore(%arg11 : memref<!tpu.dma_semaphore, #tpu.memory_space<semaphore_mem>>)
        } else {
        }
        %dma_wait3A = arith.constant 0 : i32
        %dma_wait3A_97 = tpu.memref_slice %arg6[%add3A_55, %dma_wait3A] : memref<40x125xi32, #tpu.memory_space<vmem>> -> memref<1x125xi32, #tpu.memory_space<vmem>>
        %dma_wait3A_98 = tpu.memref_squeeze %dma_wait3A_97 : memref<1x125xi32, #tpu.memory_space<vmem>> -> memref<125xi32, #tpu.memory_space<vmem>>
        %dma_wait3A_99 = arith.constant 0 : i32
        %dma_wait3A_100 = arith.constant 0 : i32
        %dma_wait3A_101 = tpu.memref_slice %arg3[%dma_wait3A_99, %dma_wait3A_100] : memref<10000x128xf32, #tpu.memory_space<hbm>> -> memref<10000x128xf32, #tpu.memory_space<hbm>>
        tpu.wait_indirect_dma semaphore(%arg10 : memref<!tpu.dma_semaphore, #tpu.memory_space<semaphore_mem>>) src(%dma_wait3A_101 : memref<10000x128xf32, #tpu.memory_space<hbm>>) dst(%arg8 : memref<125x128xf32, #tpu.memory_space<vmem>>)
        "tpu.region"() ({
          %run_scoped3A = tpu.sem_alloc : memref<!tpu.dma_semaphore, #tpu.memory_space<semaphore_mem>>
          %dma_start3A_102 = arith.constant 0 : i32
          %dma_start3A_103 = tpu.memref_slice %arg7[%add3A_55, %dma_start3A_102] : memref<40x125xi32, #tpu.memory_space<vmem>> -> memref<1x125xi32, #tpu.memory_space<vmem>>
          %dma_start3A_104 = tpu.memref_squeeze %dma_start3A_103 : memref<1x125xi32, #tpu.memory_space<vmem>> -> memref<125xi32, #tpu.memory_space<vmem>>
          %dma_start3A_105 = arith.constant 0 : i32
          %dma_start3A_106 = arith.constant 0 : i32
          %dma_start3A_107 = tpu.memref_slice %arg12[%dma_start3A_105, %dma_start3A_106] : memref<10000x128xf32, #tpu.memory_space<vmem_shared>> -> memref<10000x128xf32, #tpu.memory_space<vmem_shared>>
          tpu.enqueue_indirect_dma source(%arg8 : memref<125x128xf32, #tpu.memory_space<vmem>>) target(%dma_start3A_107 : memref<10000x128xf32, #tpu.memory_space<vmem_shared>>) offsets(%dma_start3A_104 : memref<125xi32, #tpu.memory_space<vmem>>) semaphore(%run_scoped3A : memref<!tpu.dma_semaphore, #tpu.memory_space<semaphore_mem>>) {add = true}
          %dma_wait3A_108 = arith.constant 0 : i32
          %dma_wait3A_109 = tpu.memref_slice %arg7[%add3A_55, %dma_wait3A_108] : memref<40x125xi32, #tpu.memory_space<vmem>> -> memref<1x125xi32, #tpu.memory_space<vmem>>
          %dma_wait3A_110 = tpu.memref_squeeze %dma_wait3A_109 : memref<1x125xi32, #tpu.memory_space<vmem>> -> memref<125xi32, #tpu.memory_space<vmem>>
          %dma_wait3A_111 = arith.constant 0 : i32
          %dma_wait3A_112 = arith.constant 0 : i32
          %dma_wait3A_113 = tpu.memref_slice %arg12[%dma_wait3A_111, %dma_wait3A_112] : memref<10000x128xf32, #tpu.memory_space<vmem_shared>> -> memref<10000x128xf32, #tpu.memory_space<vmem_shared>>
          tpu.wait_indirect_dma semaphore(%run_scoped3A : memref<!tpu.dma_semaphore, #tpu.memory_space<semaphore_mem>>) src(%arg8 : memref<125x128xf32, #tpu.memory_space<vmem>>) dst(%dma_wait3A_113 : memref<10000x128xf32, #tpu.memory_space<vmem_shared>>)
          tpu.yield
        }) : () -> ()
      } else {
      }
      %jit3A_71 = arith.constant 2 : i32
      %eq3A_72 = arith.constant 0 : i32
      %eq3A_73 = arith.cmpi eq, %jit3A_71, %eq3A_72 : i32
      %jit3A_74 = arith.constant 1 : i32
      %select_n3A_75 = arith.select %eq3A_73, %jit3A_74, %jit3A_71 : i32
      %rem3A_76 = arith.remsi %add3A_55, %select_n3A_75 : i32
      %ne3A_77 = arith.constant 0 : i32
      %ne3A_78 = arith.cmpi ne, %rem3A_76, %ne3A_77 : i32
      %lt3A_79 = arith.constant 0 : i32
      %lt3A_80 = arith.cmpi slt, %rem3A_76, %lt3A_79 : i32
      %lt3A_81 = arith.constant 0 : i32
      %lt3A_82 = arith.cmpi slt, %select_n3A_75, %lt3A_81 : i32
      %ne3A_83 = arith.xori %lt3A_80, %lt3A_82 : i1
      %and3A_84 = arith.andi %ne3A_83, %ne3A_78 : i1
      %add3A_85 = arith.addi %rem3A_76, %select_n3A_75 : i32
      %select_n3A_86 = arith.select %and3A_84, %add3A_85, %rem3A_76 : i32
      %eq3A_87 = arith.constant 1 : i32
      %eq3A_88 = arith.cmpi eq, %select_n3A_86, %eq3A_87 : i32
      %convert_element_type3A_89 = arith.extui %eq3A_88 : i1 to i32
      %cond3A_90 = arith.constant 0 : i32
      %cond3A_91 = arith.cmpi ne, %convert_element_type3A_89, %cond3A_90 : i32
      scf.if %cond3A_91 {
        %lt3A_92 = arith.constant 39 : i32
        %lt3A_93 = arith.cmpi slt, %add3A_55, %lt3A_92 : i32
        %convert_element_type3A_94 = arith.extui %lt3A_93 : i1 to i32
        %cond3A_95 = arith.constant 0 : i32
        %cond3A_96 = arith.cmpi ne, %convert_element_type3A_94, %cond3A_95 : i32
        scf.if %cond3A_96 {
          %add3A_102 = arith.constant 1 : i32
          %add3A_103 = arith.addi %add3A_55, %add3A_102 : i32
          %dma_start3A_104 = arith.constant 0 : i32
          %dma_start3A_105 = tpu.memref_slice %arg6[%add3A_103, %dma_start3A_104] : memref<40x125xi32, #tpu.memory_space<vmem>> -> memref<1x125xi32, #tpu.memory_space<vmem>>
          %dma_start3A_106 = tpu.memref_squeeze %dma_start3A_105 : memref<1x125xi32, #tpu.memory_space<vmem>> -> memref<125xi32, #tpu.memory_space<vmem>>
          %dma_start3A_107 = arith.constant 0 : i32
          %dma_start3A_108 = arith.constant 0 : i32
          %dma_start3A_109 = tpu.memref_slice %arg3[%dma_start3A_107, %dma_start3A_108] : memref<10000x128xf32, #tpu.memory_space<hbm>> -> memref<10000x128xf32, #tpu.memory_space<hbm>>
          tpu.enqueue_indirect_dma source(%dma_start3A_109 : memref<10000x128xf32, #tpu.memory_space<hbm>>) target(%arg8 : memref<125x128xf32, #tpu.memory_space<vmem>>) offsets(%dma_start3A_106 : memref<125xi32, #tpu.memory_space<vmem>>) semaphore(%arg10 : memref<!tpu.dma_semaphore, #tpu.memory_space<semaphore_mem>>)
        } else {
        }
        %dma_wait3A = arith.constant 0 : i32
        %dma_wait3A_97 = tpu.memref_slice %arg6[%add3A_55, %dma_wait3A] : memref<40x125xi32, #tpu.memory_space<vmem>> -> memref<1x125xi32, #tpu.memory_space<vmem>>
        %dma_wait3A_98 = tpu.memref_squeeze %dma_wait3A_97 : memref<1x125xi32, #tpu.memory_space<vmem>> -> memref<125xi32, #tpu.memory_space<vmem>>
        %dma_wait3A_99 = arith.constant 0 : i32
        %dma_wait3A_100 = arith.constant 0 : i32
        %dma_wait3A_101 = tpu.memref_slice %arg3[%dma_wait3A_99, %dma_wait3A_100] : memref<10000x128xf32, #tpu.memory_space<hbm>> -> memref<10000x128xf32, #tpu.memory_space<hbm>>
        tpu.wait_indirect_dma semaphore(%arg11 : memref<!tpu.dma_semaphore, #tpu.memory_space<semaphore_mem>>) src(%dma_wait3A_101 : memref<10000x128xf32, #tpu.memory_space<hbm>>) dst(%arg9 : memref<125x128xf32, #tpu.memory_space<vmem>>)
        "tpu.region"() ({
          %run_scoped3A = tpu.sem_alloc : memref<!tpu.dma_semaphore, #tpu.memory_space<semaphore_mem>>
          %dma_start3A_102 = arith.constant 0 : i32
          %dma_start3A_103 = tpu.memref_slice %arg7[%add3A_55, %dma_start3A_102] : memref<40x125xi32, #tpu.memory_space<vmem>> -> memref<1x125xi32, #tpu.memory_space<vmem>>
          %dma_start3A_104 = tpu.memref_squeeze %dma_start3A_103 : memref<1x125xi32, #tpu.memory_space<vmem>> -> memref<125xi32, #tpu.memory_space<vmem>>
          %dma_start3A_105 = arith.constant 0 : i32
          %dma_start3A_106 = arith.constant 0 : i32
          %dma_start3A_107 = tpu.memref_slice %arg12[%dma_start3A_105, %dma_start3A_106] : memref<10000x128xf32, #tpu.memory_space<vmem_shared>> -> memref<10000x128xf32, #tpu.memory_space<vmem_shared>>
          tpu.enqueue_indirect_dma source(%arg9 : memref<125x128xf32, #tpu.memory_space<vmem>>) target(%dma_start3A_107 : memref<10000x128xf32, #tpu.memory_space<vmem_shared>>) offsets(%dma_start3A_104 : memref<125xi32, #tpu.memory_space<vmem>>) semaphore(%run_scoped3A : memref<!tpu.dma_semaphore, #tpu.memory_space<semaphore_mem>>) {add = true}
          %dma_wait3A_108 = arith.constant 0 : i32
          %dma_wait3A_109 = tpu.memref_slice %arg7[%add3A_55, %dma_wait3A_108] : memref<40x125xi32, #tpu.memory_space<vmem>> -> memref<1x125xi32, #tpu.memory_space<vmem>>
          %dma_wait3A_110 = tpu.memref_squeeze %dma_wait3A_109 : memref<1x125xi32, #tpu.memory_space<vmem>> -> memref<125xi32, #tpu.memory_space<vmem>>
          %dma_wait3A_111 = arith.constant 0 : i32
          %dma_wait3A_112 = arith.constant 0 : i32
          %dma_wait3A_113 = tpu.memref_slice %arg12[%dma_wait3A_111, %dma_wait3A_112] : memref<10000x128xf32, #tpu.memory_space<vmem_shared>> -> memref<10000x128xf32, #tpu.memory_space<vmem_shared>>
          tpu.wait_indirect_dma semaphore(%run_scoped3A : memref<!tpu.dma_semaphore, #tpu.memory_space<semaphore_mem>>) src(%arg9 : memref<125x128xf32, #tpu.memory_space<vmem>>) dst(%dma_wait3A_113 : memref<10000x128xf32, #tpu.memory_space<vmem_shared>>)
          tpu.yield
        }) : () -> ()
      } else {
      }
    }
    %scan3A_44 = arith.constant 40 : i32
    %barrier3A_45 = arith.constant 0 : index
    tpu.barrier barrier_id(%barrier3A_45)
    %lt3A_46 = arith.constant 10 : i32
    %lt3A_47 = arith.cmpi slt, %arg1, %lt3A_46 : i32
    %convert_element_type3A_48 = arith.extui %lt3A_47 : i1 to i32
    %cond3A_49 = arith.constant 0 : i32
    %cond3A_50 = arith.cmpi ne, %convert_element_type3A_48, %cond3A_49 : i32
    scf.if %cond3A_50 {
      %mul3A_51 = arith.constant 1000 : i32
      %mul3A_52 = arith.muli %arg1, %mul3A_51 : i32
      "tpu.region"() ({
        %run_scoped3A = tpu.sem_alloc : memref<!tpu.dma_semaphore, #tpu.memory_space<semaphore_mem>>
        %dma_start3A_53 = arith.constant 0 : i32
        %dma_start3A_54 = tpu.memref_slice %arg5[%arg0, %mul3A_52, %dma_start3A_53] : memref<2x10000x128xf32, #tpu.memory_space<hbm>> -> memref<1x1000x128xf32, #tpu.memory_space<hbm>>
        %dma_start3A_55 = tpu.memref_squeeze %dma_start3A_54 : memref<1x1000x128xf32, #tpu.memory_space<hbm>> -> memref<1000x128xf32, #tpu.memory_space<hbm>>
        %dma_start3A_56 = arith.constant 0 : i32
        %dma_start3A_57 = tpu.memref_slice %arg12[%mul3A_52, %dma_start3A_56] : memref<10000x128xf32, #tpu.memory_space<vmem_shared>> -> memref<1000x128xf32, #tpu.memory_space<vmem_shared>>
        tpu.enqueue_dma source(%dma_start3A_57 : memref<1000x128xf32, #tpu.memory_space<vmem_shared>>) target(%dma_start3A_55 : memref<1000x128xf32, #tpu.memory_space<hbm>>) target_semaphore(%run_scoped3A : memref<!tpu.dma_semaphore, #tpu.memory_space<semaphore_mem>>)
        %dma_wait3A = arith.constant 0 : i32
        %dma_wait3A_58 = tpu.memref_slice %arg5[%arg0, %mul3A_52, %dma_wait3A] : memref<2x10000x128xf32, #tpu.memory_space<hbm>> -> memref<1x1000x128xf32, #tpu.memory_space<hbm>>
        %dma_wait3A_59 = tpu.memref_squeeze %dma_wait3A_58 : memref<1x1000x128xf32, #tpu.memory_space<hbm>> -> memref<1000x128xf32, #tpu.memory_space<hbm>>
        %dma_wait3A_60 = arith.constant 0 : i32
        %dma_wait3A_61 = tpu.memref_slice %arg12[%mul3A_52, %dma_wait3A_60] : memref<10000x128xf32, #tpu.memory_space<vmem_shared>> -> memref<1000x128xf32, #tpu.memory_space<vmem_shared>>
        tpu.wait_dma2 semaphore(%run_scoped3A : memref<!tpu.dma_semaphore, #tpu.memory_space<semaphore_mem>>) src(%dma_wait3A_61 : memref<1000x128xf32, #tpu.memory_space<vmem_shared>>) dst(%dma_wait3A_59 : memref<1000x128xf32, #tpu.memory_space<hbm>>)
        tpu.yield
      }) : () -> ()
    } else {
    }
    return
  }
}

#map = affine_map<(d0, d1) -> (0, 0, 0)>
#map1 = affine_map<(d0, d1) -> (0, 0)>
module attributes {stable_mosaic.version = 14 : i64} {
  func.func @_sc_scatter(%arg0: i32, %arg1: i32, %arg2: memref<128x40x125xi32, #tpu.memory_space<hbm>>, %arg3: memref<10000x128xf32, #tpu.memory_space<hbm>>, %arg4: memref<10000x128xf32, #tpu.memory_space<hbm>>, %arg5: memref<2x10000x128xf32, #tpu.memory_space<hbm>>, %arg6: memref<40x125xi32, #tpu.memory_space<vmem>>, %arg7: memref<40x125xi32, #tpu.memory_space<vmem>>, %arg8: memref<125x128xf32, #tpu.memory_space<vmem>>, %arg9: memref<125x128xf32, #tpu.memory_space<vmem>>, %arg10: memref<!tpu.dma_semaphore, #tpu.memory_space<semaphore_mem>>, %arg11: memref<!tpu.dma_semaphore, #tpu.memory_space<semaphore_mem>>, %arg12: memref<10000x128xf32, #tpu.memory_space<vmem_shared>>) attributes {dimension_semantics = [#tpu.dimension_semantics<core_parallel>, #tpu.dimension_semantics<subcore_parallel>], iteration_bounds = array<i64: 2, 16>, scalar_prefetch = 0 : i64, scratch_operands = 7 : i64, tpu.core_type = #tpu.core_type<sc_vector_subcore>, window_params = [{transform_indices = #map}, {transform_indices = #map1}, {transform_indices = #map1}, {transform_indices = #map}]} {
    %mul3A = arith.constant 16 : i32
    %mul3A_0 = arith.muli %arg0, %mul3A : i32
    %add3A = arith.addi %mul3A_0, %arg1 : i32
    %lt3A = arith.constant 10 : i32
    %lt3A_1 = arith.cmpi slt, %arg1, %lt3A : i32
    %convert_element_type3A = arith.extui %lt3A_1 : i1 to i32
    %cond3A = arith.constant 0 : i32
    %cond3A_2 = arith.cmpi ne, %convert_element_type3A, %cond3A : i32
    scf.if %cond3A_2 {
      %mul3A_51 = arith.constant 1000 : i32
      %mul3A_52 = arith.muli %arg1, %mul3A_51 : i32
      %eq3A = arith.constant 0 : i32
      %eq3A_53 = arith.cmpi eq, %arg0, %eq3A : i32
      %convert_element_type3A_54 = arith.extui %eq3A_53 : i1 to i32
      %cond3A_55 = arith.constant 0 : i32
      %cond3A_56 = arith.cmpi ne, %convert_element_type3A_54, %cond3A_55 : i32
      scf.if %cond3A_56 {
        "tpu.region"() ({
          %run_scoped3A = tpu.sem_alloc : memref<!tpu.dma_semaphore, #tpu.memory_space<semaphore_mem>>
          %dma_start3A_62 = arith.constant 0 : i32
          %dma_start3A_63 = tpu.memref_slice %arg12[%mul3A_52, %dma_start3A_62] : memref<10000x128xf32, #tpu.memory_space<vmem_shared>> -> memref<1000x128xf32, #tpu.memory_space<vmem_shared>>
          %dma_start3A_64 = arith.constant 0 : i32
          %dma_start3A_65 = tpu.memref_slice %arg3[%mul3A_52, %dma_start3A_64] : memref<10000x128xf32, #tpu.memory_space<hbm>> -> memref<1000x128xf32, #tpu.memory_space<hbm>>
          tpu.enqueue_dma source(%dma_start3A_65 : memref<1000x128xf32, #tpu.memory_space<hbm>>) target(%dma_start3A_63 : memref<1000x128xf32, #tpu.memory_space<vmem_shared>>) target_semaphore(%run_scoped3A : memref<!tpu.dma_semaphore, #tpu.memory_space<semaphore_mem>>)
          %dma_wait3A = arith.constant 0 : i32
          %dma_wait3A_66 = tpu.memref_slice %arg12[%mul3A_52, %dma_wait3A] : memref<10000x128xf32, #tpu.memory_space<vmem_shared>> -> memref<1000x128xf32, #tpu.memory_space<vmem_shared>>
          %dma_wait3A_67 = arith.constant 0 : i32
          %dma_wait3A_68 = tpu.memref_slice %arg3[%mul3A_52, %dma_wait3A_67] : memref<10000x128xf32, #tpu.memory_space<hbm>> -> memref<1000x128xf32, #tpu.memory_space<hbm>>
          tpu.wait_dma2 semaphore(%run_scoped3A : memref<!tpu.dma_semaphore, #tpu.memory_space<semaphore_mem>>) src(%dma_wait3A_68 : memref<1000x128xf32, #tpu.memory_space<hbm>>) dst(%dma_wait3A_66 : memref<1000x128xf32, #tpu.memory_space<vmem_shared>>)
          tpu.yield
        }) : () -> ()
      } else {
      }
      %eq3A_57 = arith.constant 1 : i32
      %eq3A_58 = arith.cmpi eq, %arg0, %eq3A_57 : i32
      %convert_element_type3A_59 = arith.extui %eq3A_58 : i1 to i32
      %cond3A_60 = arith.constant 0 : i32
      %cond3A_61 = arith.cmpi ne, %convert_element_type3A_59, %cond3A_60 : i32
      scf.if %cond3A_61 {
        "tpu.region"() ({
          %run_scoped3A = tpu.sem_alloc : memref<!tpu.dma_semaphore, #tpu.memory_space<semaphore_mem>>
          %dma_start3A_62 = arith.constant 0 : i32
          %dma_start3A_63 = tpu.memref_slice %arg12[%mul3A_52, %dma_start3A_62] : memref<10000x128xf32, #tpu.memory_space<vmem_shared>> -> memref<1000x128xf32, #tpu.memory_space<vmem_shared>>
          %dma_start3A_64 = arith.constant 0 : i32
          %dma_start3A_65 = tpu.memref_slice %arg4[%mul3A_52, %dma_start3A_64] : memref<10000x128xf32, #tpu.memory_space<hbm>> -> memref<1000x128xf32, #tpu.memory_space<hbm>>
          tpu.enqueue_dma source(%dma_start3A_65 : memref<1000x128xf32, #tpu.memory_space<hbm>>) target(%dma_start3A_63 : memref<1000x128xf32, #tpu.memory_space<vmem_shared>>) target_semaphore(%run_scoped3A : memref<!tpu.dma_semaphore, #tpu.memory_space<semaphore_mem>>)
          %dma_wait3A = arith.constant 0 : i32
          %dma_wait3A_66 = tpu.memref_slice %arg12[%mul3A_52, %dma_wait3A] : memref<10000x128xf32, #tpu.memory_space<vmem_shared>> -> memref<1000x128xf32, #tpu.memory_space<vmem_shared>>
          %dma_wait3A_67 = arith.constant 0 : i32
          %dma_wait3A_68 = tpu.memref_slice %arg4[%mul3A_52, %dma_wait3A_67] : memref<10000x128xf32, #tpu.memory_space<hbm>> -> memref<1000x128xf32, #tpu.memory_space<hbm>>
          tpu.wait_dma2 semaphore(%run_scoped3A : memref<!tpu.dma_semaphore, #tpu.memory_space<semaphore_mem>>) src(%dma_wait3A_68 : memref<1000x128xf32, #tpu.memory_space<hbm>>) dst(%dma_wait3A_66 : memref<1000x128xf32, #tpu.memory_space<vmem_shared>>)
          tpu.yield
        }) : () -> ()
      } else {
      }
    } else {
    }
    %barrier3A = arith.constant 0 : index
    tpu.barrier barrier_id(%barrier3A)
    %mul3A_3 = arith.constant 2 : i32
    %mul3A_4 = arith.muli %mul3A_3, %add3A : i32
    %add3A_5 = arith.constant 0 : i32
    %add3A_6 = arith.addi %mul3A_4, %add3A_5 : i32
    "tpu.region"() ({
      %run_scoped3A = tpu.sem_alloc : memref<!tpu.dma_semaphore, #tpu.memory_space<semaphore_mem>>
      %dma_start3A_51 = arith.constant 0 : i32
      %dma_start3A_52 = arith.constant 0 : i32
      %dma_start3A_53 = tpu.memref_slice %arg2[%add3A_6, %dma_start3A_51, %dma_start3A_52] : memref<128x40x125xi32, #tpu.memory_space<hbm>> -> memref<1x40x125xi32, #tpu.memory_space<hbm>>
      %dma_start3A_54 = tpu.memref_squeeze %dma_start3A_53 : memref<1x40x125xi32, #tpu.memory_space<hbm>> -> memref<40x125xi32, #tpu.memory_space<hbm>>
      %dma_start3A_55 = arith.constant 0 : i32
      %dma_start3A_56 = arith.constant 0 : i32
      %dma_start3A_57 = tpu.memref_slice %arg2[%add3A_6, %dma_start3A_55, %dma_start3A_56] : memref<128x40x125xi32, #tpu.memory_space<hbm>> -> memref<1x40x125xi32, #tpu.memory_space<hbm>>
      %dma_start3A_58 = tpu.memref_squeeze %dma_start3A_57 : memref<1x40x125xi32, #tpu.memory_space<hbm>> -> memref<40x125xi32, #tpu.memory_space<hbm>>
      tpu.enqueue_dma source(%dma_start3A_58 : memref<40x125xi32, #tpu.memory_space<hbm>>) target(%arg6 : memref<40x125xi32, #tpu.memory_space<vmem>>) target_semaphore(%run_scoped3A : memref<!tpu.dma_semaphore, #tpu.memory_space<semaphore_mem>>)
      %dma_wait3A = arith.constant 0 : i32
      %dma_wait3A_59 = arith.constant 0 : i32
      %dma_wait3A_60 = tpu.memref_slice %arg2[%add3A_6, %dma_wait3A, %dma_wait3A_59] : memref<128x40x125xi32, #tpu.memory_space<hbm>> -> memref<1x40x125xi32, #tpu.memory_space<hbm>>
      %dma_wait3A_61 = tpu.memref_squeeze %dma_wait3A_60 : memref<1x40x125xi32, #tpu.memory_space<hbm>> -> memref<40x125xi32, #tpu.memory_space<hbm>>
      %dma_wait3A_62 = arith.constant 0 : i32
      %dma_wait3A_63 = arith.constant 0 : i32
      %dma_wait3A_64 = tpu.memref_slice %arg2[%add3A_6, %dma_wait3A_62, %dma_wait3A_63] : memref<128x40x125xi32, #tpu.memory_space<hbm>> -> memref<1x40x125xi32, #tpu.memory_space<hbm>>
      %dma_wait3A_65 = tpu.memref_squeeze %dma_wait3A_64 : memref<1x40x125xi32, #tpu.memory_space<hbm>> -> memref<40x125xi32, #tpu.memory_space<hbm>>
      tpu.wait_dma2 semaphore(%run_scoped3A : memref<!tpu.dma_semaphore, #tpu.memory_space<semaphore_mem>>) src(%dma_wait3A_65 : memref<40x125xi32, #tpu.memory_space<hbm>>) dst(%arg6 : memref<40x125xi32, #tpu.memory_space<vmem>>)
      tpu.yield
    }) : () -> ()
    %mul3A_7 = arith.constant 2 : i32
    %mul3A_8 = arith.muli %mul3A_7, %add3A : i32
    %add3A_9 = arith.constant 64 : i32
    %add3A_10 = arith.addi %add3A_9, %mul3A_8 : i32
    %add3A_11 = arith.constant 0 : i32
    %add3A_12 = arith.addi %add3A_10, %add3A_11 : i32
    "tpu.region"() ({
      %run_scoped3A = tpu.sem_alloc : memref<!tpu.dma_semaphore, #tpu.memory_space<semaphore_mem>>
      %dma_start3A_51 = arith.constant 0 : i32
      %dma_start3A_52 = arith.constant 0 : i32
      %dma_start3A_53 = tpu.memref_slice %arg2[%add3A_12, %dma_start3A_51, %dma_start3A_52] : memref<128x40x125xi32, #tpu.memory_space<hbm>> -> memref<1x40x125xi32, #tpu.memory_space<hbm>>
      %dma_start3A_54 = tpu.memref_squeeze %dma_start3A_53 : memref<1x40x125xi32, #tpu.memory_space<hbm>> -> memref<40x125xi32, #tpu.memory_space<hbm>>
      %dma_start3A_55 = arith.constant 0 : i32
      %dma_start3A_56 = arith.constant 0 : i32
      %dma_start3A_57 = tpu.memref_slice %arg2[%add3A_12, %dma_start3A_55, %dma_start3A_56] : memref<128x40x125xi32, #tpu.memory_space<hbm>> -> memref<1x40x125xi32, #tpu.memory_space<hbm>>
      %dma_start3A_58 = tpu.memref_squeeze %dma_start3A_57 : memref<1x40x125xi32, #tpu.memory_space<hbm>> -> memref<40x125xi32, #tpu.memory_space<hbm>>
      tpu.enqueue_dma source(%dma_start3A_58 : memref<40x125xi32, #tpu.memory_space<hbm>>) target(%arg7 : memref<40x125xi32, #tpu.memory_space<vmem>>) target_semaphore(%run_scoped3A : memref<!tpu.dma_semaphore, #tpu.memory_space<semaphore_mem>>)
      %dma_wait3A = arith.constant 0 : i32
      %dma_wait3A_59 = arith.constant 0 : i32
      %dma_wait3A_60 = tpu.memref_slice %arg2[%add3A_12, %dma_wait3A, %dma_wait3A_59] : memref<128x40x125xi32, #tpu.memory_space<hbm>> -> memref<1x40x125xi32, #tpu.memory_space<hbm>>
      %dma_wait3A_61 = tpu.memref_squeeze %dma_wait3A_60 : memref<1x40x125xi32, #tpu.memory_space<hbm>> -> memref<40x125xi32, #tpu.memory_space<hbm>>
      %dma_wait3A_62 = arith.constant 0 : i32
      %dma_wait3A_63 = arith.constant 0 : i32
      %dma_wait3A_64 = tpu.memref_slice %arg2[%add3A_12, %dma_wait3A_62, %dma_wait3A_63] : memref<128x40x125xi32, #tpu.memory_space<hbm>> -> memref<1x40x125xi32, #tpu.memory_space<hbm>>
      %dma_wait3A_65 = tpu.memref_squeeze %dma_wait3A_64 : memref<1x40x125xi32, #tpu.memory_space<hbm>> -> memref<40x125xi32, #tpu.memory_space<hbm>>
      tpu.wait_dma2 semaphore(%run_scoped3A : memref<!tpu.dma_semaphore, #tpu.memory_space<semaphore_mem>>) src(%dma_wait3A_65 : memref<40x125xi32, #tpu.memory_space<hbm>>) dst(%arg7 : memref<40x125xi32, #tpu.memory_space<vmem>>)
      tpu.yield
    }) : () -> ()
    %dma_start3A = arith.constant 0 : i32
    %dma_start3A_13 = arith.constant 0 : i32
    %dma_start3A_14 = tpu.memref_slice %arg6[%dma_start3A, %dma_start3A_13] : memref<40x125xi32, #tpu.memory_space<vmem>> -> memref<1x125xi32, #tpu.memory_space<vmem>>
    %dma_start3A_15 = tpu.memref_squeeze %dma_start3A_14 : memref<1x125xi32, #tpu.memory_space<vmem>> -> memref<125xi32, #tpu.memory_space<vmem>>
    %dma_start3A_16 = arith.constant 0 : i32
    %dma_start3A_17 = arith.constant 0 : i32
    %dma_start3A_18 = tpu.memref_slice %arg3[%dma_start3A_16, %dma_start3A_17] : memref<10000x128xf32, #tpu.memory_space<hbm>> -> memref<10000x128xf32, #tpu.memory_space<hbm>>
    tpu.enqueue_indirect_dma source(%dma_start3A_18 : memref<10000x128xf32, #tpu.memory_space<hbm>>) target(%arg8 : memref<125x128xf32, #tpu.memory_space<vmem>>) offsets(%dma_start3A_15 : memref<125xi32, #tpu.memory_space<vmem>>) semaphore(%arg10 : memref<!tpu.dma_semaphore, #tpu.memory_space<semaphore_mem>>)
    %scan3A = arith.constant 0 : i32
    %scan3A_19 = arith.constant 40 : i32
    %scan3A_20 = arith.addi %scan3A, %scan3A_19 : i32
    %scan3A_21 = arith.constant 1 : i32
    scf.for %scan3A_51 = %scan3A to %scan3A_20 step %scan3A_21  : i32 {
      %mul3A_52 = arith.constant 1 : i32
      %mul3A_53 = arith.muli %scan3A_51, %mul3A_52 : i32
      %add3A_54 = arith.constant 0 : i32
      %add3A_55 = arith.addi %add3A_54, %mul3A_53 : i32
      %jit3A = arith.constant 2 : i32
      %eq3A = arith.constant 0 : i32
      %eq3A_56 = arith.cmpi eq, %jit3A, %eq3A : i32
      %jit3A_57 = arith.constant 1 : i32
      %select_n3A = arith.select %eq3A_56, %jit3A_57, %jit3A : i32
      %rem3A = arith.remsi %add3A_55, %select_n3A : i32
      %ne3A = arith.constant 0 : i32
      %ne3A_58 = arith.cmpi ne, %rem3A, %ne3A : i32
      %lt3A_59 = arith.constant 0 : i32
      %lt3A_60 = arith.cmpi slt, %rem3A, %lt3A_59 : i32
      %lt3A_61 = arith.constant 0 : i32
      %lt3A_62 = arith.cmpi slt, %select_n3A, %lt3A_61 : i32
      %ne3A_63 = arith.xori %lt3A_60, %lt3A_62 : i1
      %and3A = arith.andi %ne3A_63, %ne3A_58 : i1
      %add3A_64 = arith.addi %rem3A, %select_n3A : i32
      %select_n3A_65 = arith.select %and3A, %add3A_64, %rem3A : i32
      %eq3A_66 = arith.constant 0 : i32
      %eq3A_67 = arith.cmpi eq, %select_n3A_65, %eq3A_66 : i32
      %convert_element_type3A_68 = arith.extui %eq3A_67 : i1 to i32
      %cond3A_69 = arith.constant 0 : i32
      %cond3A_70 = arith.cmpi ne, %convert_element_type3A_68, %cond3A_69 : i32
      scf.if %cond3A_70 {
        %lt3A_92 = arith.constant 39 : i32
        %lt3A_93 = arith.cmpi slt, %add3A_55, %lt3A_92 : i32
        %convert_element_type3A_94 = arith.extui %lt3A_93 : i1 to i32
        %cond3A_95 = arith.constant 0 : i32
        %cond3A_96 = arith.cmpi ne, %convert_element_type3A_94, %cond3A_95 : i32
        scf.if %cond3A_96 {
          %add3A_102 = arith.constant 1 : i32
          %add3A_103 = arith.addi %add3A_55, %add3A_102 : i32
          %dma_start3A_104 = arith.constant 0 : i32
          %dma_start3A_105 = tpu.memref_slice %arg6[%add3A_103, %dma_start3A_104] : memref<40x125xi32, #tpu.memory_space<vmem>> -> memref<1x125xi32, #tpu.memory_space<vmem>>
          %dma_start3A_106 = tpu.memref_squeeze %dma_start3A_105 : memref<1x125xi32, #tpu.memory_space<vmem>> -> memref<125xi32, #tpu.memory_space<vmem>>
          %dma_start3A_107 = arith.constant 0 : i32
          %dma_start3A_108 = arith.constant 0 : i32
          %dma_start3A_109 = tpu.memref_slice %arg3[%dma_start3A_107, %dma_start3A_108] : memref<10000x128xf32, #tpu.memory_space<hbm>> -> memref<10000x128xf32, #tpu.memory_space<hbm>>
          tpu.enqueue_indirect_dma source(%dma_start3A_109 : memref<10000x128xf32, #tpu.memory_space<hbm>>) target(%arg9 : memref<125x128xf32, #tpu.memory_space<vmem>>) offsets(%dma_start3A_106 : memref<125xi32, #tpu.memory_space<vmem>>) semaphore(%arg11 : memref<!tpu.dma_semaphore, #tpu.memory_space<semaphore_mem>>)
        } else {
        }
        %dma_wait3A = arith.constant 0 : i32
        %dma_wait3A_97 = tpu.memref_slice %arg6[%add3A_55, %dma_wait3A] : memref<40x125xi32, #tpu.memory_space<vmem>> -> memref<1x125xi32, #tpu.memory_space<vmem>>
        %dma_wait3A_98 = tpu.memref_squeeze %dma_wait3A_97 : memref<1x125xi32, #tpu.memory_space<vmem>> -> memref<125xi32, #tpu.memory_space<vmem>>
        %dma_wait3A_99 = arith.constant 0 : i32
        %dma_wait3A_100 = arith.constant 0 : i32
        %dma_wait3A_101 = tpu.memref_slice %arg3[%dma_wait3A_99, %dma_wait3A_100] : memref<10000x128xf32, #tpu.memory_space<hbm>> -> memref<10000x128xf32, #tpu.memory_space<hbm>>
        tpu.wait_indirect_dma semaphore(%arg10 : memref<!tpu.dma_semaphore, #tpu.memory_space<semaphore_mem>>) src(%dma_wait3A_101 : memref<10000x128xf32, #tpu.memory_space<hbm>>) dst(%arg8 : memref<125x128xf32, #tpu.memory_space<vmem>>)
        "tpu.region"() ({
          %run_scoped3A = tpu.sem_alloc : memref<!tpu.dma_semaphore, #tpu.memory_space<semaphore_mem>>
          %dma_start3A_102 = arith.constant 0 : i32
          %dma_start3A_103 = tpu.memref_slice %arg7[%add3A_55, %dma_start3A_102] : memref<40x125xi32, #tpu.memory_space<vmem>> -> memref<1x125xi32, #tpu.memory_space<vmem>>
          %dma_start3A_104 = tpu.memref_squeeze %dma_start3A_103 : memref<1x125xi32, #tpu.memory_space<vmem>> -> memref<125xi32, #tpu.memory_space<vmem>>
          %dma_start3A_105 = arith.constant 0 : i32
          %dma_start3A_106 = arith.constant 0 : i32
          %dma_start3A_107 = tpu.memref_slice %arg12[%dma_start3A_105, %dma_start3A_106] : memref<10000x128xf32, #tpu.memory_space<vmem_shared>> -> memref<10000x128xf32, #tpu.memory_space<vmem_shared>>
          tpu.enqueue_indirect_dma source(%arg8 : memref<125x128xf32, #tpu.memory_space<vmem>>) target(%dma_start3A_107 : memref<10000x128xf32, #tpu.memory_space<vmem_shared>>) offsets(%dma_start3A_104 : memref<125xi32, #tpu.memory_space<vmem>>) semaphore(%run_scoped3A : memref<!tpu.dma_semaphore, #tpu.memory_space<semaphore_mem>>) {add = true}
          %dma_wait3A_108 = arith.constant 0 : i32
          %dma_wait3A_109 = tpu.memref_slice %arg7[%add3A_55, %dma_wait3A_108] : memref<40x125xi32, #tpu.memory_space<vmem>> -> memref<1x125xi32, #tpu.memory_space<vmem>>
          %dma_wait3A_110 = tpu.memref_squeeze %dma_wait3A_109 : memref<1x125xi32, #tpu.memory_space<vmem>> -> memref<125xi32, #tpu.memory_space<vmem>>
          %dma_wait3A_111 = arith.constant 0 : i32
          %dma_wait3A_112 = arith.constant 0 : i32
          %dma_wait3A_113 = tpu.memref_slice %arg12[%dma_wait3A_111, %dma_wait3A_112] : memref<10000x128xf32, #tpu.memory_space<vmem_shared>> -> memref<10000x128xf32, #tpu.memory_space<vmem_shared>>
          tpu.wait_indirect_dma semaphore(%run_scoped3A : memref<!tpu.dma_semaphore, #tpu.memory_space<semaphore_mem>>) src(%arg8 : memref<125x128xf32, #tpu.memory_space<vmem>>) dst(%dma_wait3A_113 : memref<10000x128xf32, #tpu.memory_space<vmem_shared>>)
          tpu.yield
        }) : () -> ()
      } else {
      }
      %jit3A_71 = arith.constant 2 : i32
      %eq3A_72 = arith.constant 0 : i32
      %eq3A_73 = arith.cmpi eq, %jit3A_71, %eq3A_72 : i32
      %jit3A_74 = arith.constant 1 : i32
      %select_n3A_75 = arith.select %eq3A_73, %jit3A_74, %jit3A_71 : i32
      %rem3A_76 = arith.remsi %add3A_55, %select_n3A_75 : i32
      %ne3A_77 = arith.constant 0 : i32
      %ne3A_78 = arith.cmpi ne, %rem3A_76, %ne3A_77 : i32
      %lt3A_79 = arith.constant 0 : i32
      %lt3A_80 = arith.cmpi slt, %rem3A_76, %lt3A_79 : i32
      %lt3A_81 = arith.constant 0 : i32
      %lt3A_82 = arith.cmpi slt, %select_n3A_75, %lt3A_81 : i32
      %ne3A_83 = arith.xori %lt3A_80, %lt3A_82 : i1
      %and3A_84 = arith.andi %ne3A_83, %ne3A_78 : i1
      %add3A_85 = arith.addi %rem3A_76, %select_n3A_75 : i32
      %select_n3A_86 = arith.select %and3A_84, %add3A_85, %rem3A_76 : i32
      %eq3A_87 = arith.constant 1 : i32
      %eq3A_88 = arith.cmpi eq, %select_n3A_86, %eq3A_87 : i32
      %convert_element_type3A_89 = arith.extui %eq3A_88 : i1 to i32
      %cond3A_90 = arith.constant 0 : i32
      %cond3A_91 = arith.cmpi ne, %convert_element_type3A_89, %cond3A_90 : i32
      scf.if %cond3A_91 {
        %lt3A_92 = arith.constant 39 : i32
        %lt3A_93 = arith.cmpi slt, %add3A_55, %lt3A_92 : i32
        %convert_element_type3A_94 = arith.extui %lt3A_93 : i1 to i32
        %cond3A_95 = arith.constant 0 : i32
        %cond3A_96 = arith.cmpi ne, %convert_element_type3A_94, %cond3A_95 : i32
        scf.if %cond3A_96 {
          %add3A_102 = arith.constant 1 : i32
          %add3A_103 = arith.addi %add3A_55, %add3A_102 : i32
          %dma_start3A_104 = arith.constant 0 : i32
          %dma_start3A_105 = tpu.memref_slice %arg6[%add3A_103, %dma_start3A_104] : memref<40x125xi32, #tpu.memory_space<vmem>> -> memref<1x125xi32, #tpu.memory_space<vmem>>
          %dma_start3A_106 = tpu.memref_squeeze %dma_start3A_105 : memref<1x125xi32, #tpu.memory_space<vmem>> -> memref<125xi32, #tpu.memory_space<vmem>>
          %dma_start3A_107 = arith.constant 0 : i32
          %dma_start3A_108 = arith.constant 0 : i32
          %dma_start3A_109 = tpu.memref_slice %arg3[%dma_start3A_107, %dma_start3A_108] : memref<10000x128xf32, #tpu.memory_space<hbm>> -> memref<10000x128xf32, #tpu.memory_space<hbm>>
          tpu.enqueue_indirect_dma source(%dma_start3A_109 : memref<10000x128xf32, #tpu.memory_space<hbm>>) target(%arg8 : memref<125x128xf32, #tpu.memory_space<vmem>>) offsets(%dma_start3A_106 : memref<125xi32, #tpu.memory_space<vmem>>) semaphore(%arg10 : memref<!tpu.dma_semaphore, #tpu.memory_space<semaphore_mem>>)
        } else {
        }
        %dma_wait3A = arith.constant 0 : i32
        %dma_wait3A_97 = tpu.memref_slice %arg6[%add3A_55, %dma_wait3A] : memref<40x125xi32, #tpu.memory_space<vmem>> -> memref<1x125xi32, #tpu.memory_space<vmem>>
        %dma_wait3A_98 = tpu.memref_squeeze %dma_wait3A_97 : memref<1x125xi32, #tpu.memory_space<vmem>> -> memref<125xi32, #tpu.memory_space<vmem>>
        %dma_wait3A_99 = arith.constant 0 : i32
        %dma_wait3A_100 = arith.constant 0 : i32
        %dma_wait3A_101 = tpu.memref_slice %arg3[%dma_wait3A_99, %dma_wait3A_100] : memref<10000x128xf32, #tpu.memory_space<hbm>> -> memref<10000x128xf32, #tpu.memory_space<hbm>>
        tpu.wait_indirect_dma semaphore(%arg11 : memref<!tpu.dma_semaphore, #tpu.memory_space<semaphore_mem>>) src(%dma_wait3A_101 : memref<10000x128xf32, #tpu.memory_space<hbm>>) dst(%arg9 : memref<125x128xf32, #tpu.memory_space<vmem>>)
        "tpu.region"() ({
          %run_scoped3A = tpu.sem_alloc : memref<!tpu.dma_semaphore, #tpu.memory_space<semaphore_mem>>
          %dma_start3A_102 = arith.constant 0 : i32
          %dma_start3A_103 = tpu.memref_slice %arg7[%add3A_55, %dma_start3A_102] : memref<40x125xi32, #tpu.memory_space<vmem>> -> memref<1x125xi32, #tpu.memory_space<vmem>>
          %dma_start3A_104 = tpu.memref_squeeze %dma_start3A_103 : memref<1x125xi32, #tpu.memory_space<vmem>> -> memref<125xi32, #tpu.memory_space<vmem>>
          %dma_start3A_105 = arith.constant 0 : i32
          %dma_start3A_106 = arith.constant 0 : i32
          %dma_start3A_107 = tpu.memref_slice %arg12[%dma_start3A_105, %dma_start3A_106] : memref<10000x128xf32, #tpu.memory_space<vmem_shared>> -> memref<10000x128xf32, #tpu.memory_space<vmem_shared>>
          tpu.enqueue_indirect_dma source(%arg9 : memref<125x128xf32, #tpu.memory_space<vmem>>) target(%dma_start3A_107 : memref<10000x128xf32, #tpu.memory_space<vmem_shared>>) offsets(%dma_start3A_104 : memref<125xi32, #tpu.memory_space<vmem>>) semaphore(%run_scoped3A : memref<!tpu.dma_semaphore, #tpu.memory_space<semaphore_mem>>) {add = true}
          %dma_wait3A_108 = arith.constant 0 : i32
          %dma_wait3A_109 = tpu.memref_slice %arg7[%add3A_55, %dma_wait3A_108] : memref<40x125xi32, #tpu.memory_space<vmem>> -> memref<1x125xi32, #tpu.memory_space<vmem>>
          %dma_wait3A_110 = tpu.memref_squeeze %dma_wait3A_109 : memref<1x125xi32, #tpu.memory_space<vmem>> -> memref<125xi32, #tpu.memory_space<vmem>>
          %dma_wait3A_111 = arith.constant 0 : i32
          %dma_wait3A_112 = arith.constant 0 : i32
          %dma_wait3A_113 = tpu.memref_slice %arg12[%dma_wait3A_111, %dma_wait3A_112] : memref<10000x128xf32, #tpu.memory_space<vmem_shared>> -> memref<10000x128xf32, #tpu.memory_space<vmem_shared>>
          tpu.wait_indirect_dma semaphore(%run_scoped3A : memref<!tpu.dma_semaphore, #tpu.memory_space<semaphore_mem>>) src(%arg9 : memref<125x128xf32, #tpu.memory_space<vmem>>) dst(%dma_wait3A_113 : memref<10000x128xf32, #tpu.memory_space<vmem_shared>>)
          tpu.yield
        }) : () -> ()
      } else {
      }
    }
    %scan3A_22 = arith.constant 40 : i32
    %mul3A_23 = arith.constant 2 : i32
    %mul3A_24 = arith.muli %mul3A_23, %add3A : i32
    %add3A_25 = arith.constant 1 : i32
    %add3A_26 = arith.addi %mul3A_24, %add3A_25 : i32
    "tpu.region"() ({
      %run_scoped3A = tpu.sem_alloc : memref<!tpu.dma_semaphore, #tpu.memory_space<semaphore_mem>>
      %dma_start3A_51 = arith.constant 0 : i32
      %dma_start3A_52 = arith.constant 0 : i32
      %dma_start3A_53 = tpu.memref_slice %arg2[%add3A_26, %dma_start3A_51, %dma_start3A_52] : memref<128x40x125xi32, #tpu.memory_space<hbm>> -> memref<1x40x125xi32, #tpu.memory_space<hbm>>
      %dma_start3A_54 = tpu.memref_squeeze %dma_start3A_53 : memref<1x40x125xi32, #tpu.memory_space<hbm>> -> memref<40x125xi32, #tpu.memory_space<hbm>>
      %dma_start3A_55 = arith.constant 0 : i32
      %dma_start3A_56 = arith.constant 0 : i32
      %dma_start3A_57 = tpu.memref_slice %arg2[%add3A_26, %dma_start3A_55, %dma_start3A_56] : memref<128x40x125xi32, #tpu.memory_space<hbm>> -> memref<1x40x125xi32, #tpu.memory_space<hbm>>
      %dma_start3A_58 = tpu.memref_squeeze %dma_start3A_57 : memref<1x40x125xi32, #tpu.memory_space<hbm>> -> memref<40x125xi32, #tpu.memory_space<hbm>>
      tpu.enqueue_dma source(%dma_start3A_58 : memref<40x125xi32, #tpu.memory_space<hbm>>) target(%arg6 : memref<40x125xi32, #tpu.memory_space<vmem>>) target_semaphore(%run_scoped3A : memref<!tpu.dma_semaphore, #tpu.memory_space<semaphore_mem>>)
      %dma_wait3A = arith.constant 0 : i32
      %dma_wait3A_59 = arith.constant 0 : i32
      %dma_wait3A_60 = tpu.memref_slice %arg2[%add3A_26, %dma_wait3A, %dma_wait3A_59] : memref<128x40x125xi32, #tpu.memory_space<hbm>> -> memref<1x40x125xi32, #tpu.memory_space<hbm>>
      %dma_wait3A_61 = tpu.memref_squeeze %dma_wait3A_60 : memref<1x40x125xi32, #tpu.memory_space<hbm>> -> memref<40x125xi32, #tpu.memory_space<hbm>>
      %dma_wait3A_62 = arith.constant 0 : i32
      %dma_wait3A_63 = arith.constant 0 : i32
      %dma_wait3A_64 = tpu.memref_slice %arg2[%add3A_26, %dma_wait3A_62, %dma_wait3A_63] : memref<128x40x125xi32, #tpu.memory_space<hbm>> -> memref<1x40x125xi32, #tpu.memory_space<hbm>>
      %dma_wait3A_65 = tpu.memref_squeeze %dma_wait3A_64 : memref<1x40x125xi32, #tpu.memory_space<hbm>> -> memref<40x125xi32, #tpu.memory_space<hbm>>
      tpu.wait_dma2 semaphore(%run_scoped3A : memref<!tpu.dma_semaphore, #tpu.memory_space<semaphore_mem>>) src(%dma_wait3A_65 : memref<40x125xi32, #tpu.memory_space<hbm>>) dst(%arg6 : memref<40x125xi32, #tpu.memory_space<vmem>>)
      tpu.yield
    }) : () -> ()
    %mul3A_27 = arith.constant 2 : i32
    %mul3A_28 = arith.muli %mul3A_27, %add3A : i32
    %add3A_29 = arith.constant 64 : i32
    %add3A_30 = arith.addi %add3A_29, %mul3A_28 : i32
    %add3A_31 = arith.constant 1 : i32
    %add3A_32 = arith.addi %add3A_30, %add3A_31 : i32
    "tpu.region"() ({
      %run_scoped3A = tpu.sem_alloc : memref<!tpu.dma_semaphore, #tpu.memory_space<semaphore_mem>>
      %dma_start3A_51 = arith.constant 0 : i32
      %dma_start3A_52 = arith.constant 0 : i32
      %dma_start3A_53 = tpu.memref_slice %arg2[%add3A_32, %dma_start3A_51, %dma_start3A_52] : memref<128x40x125xi32, #tpu.memory_space<hbm>> -> memref<1x40x125xi32, #tpu.memory_space<hbm>>
      %dma_start3A_54 = tpu.memref_squeeze %dma_start3A_53 : memref<1x40x125xi32, #tpu.memory_space<hbm>> -> memref<40x125xi32, #tpu.memory_space<hbm>>
      %dma_start3A_55 = arith.constant 0 : i32
      %dma_start3A_56 = arith.constant 0 : i32
      %dma_start3A_57 = tpu.memref_slice %arg2[%add3A_32, %dma_start3A_55, %dma_start3A_56] : memref<128x40x125xi32, #tpu.memory_space<hbm>> -> memref<1x40x125xi32, #tpu.memory_space<hbm>>
      %dma_start3A_58 = tpu.memref_squeeze %dma_start3A_57 : memref<1x40x125xi32, #tpu.memory_space<hbm>> -> memref<40x125xi32, #tpu.memory_space<hbm>>
      tpu.enqueue_dma source(%dma_start3A_58 : memref<40x125xi32, #tpu.memory_space<hbm>>) target(%arg7 : memref<40x125xi32, #tpu.memory_space<vmem>>) target_semaphore(%run_scoped3A : memref<!tpu.dma_semaphore, #tpu.memory_space<semaphore_mem>>)
      %dma_wait3A = arith.constant 0 : i32
      %dma_wait3A_59 = arith.constant 0 : i32
      %dma_wait3A_60 = tpu.memref_slice %arg2[%add3A_32, %dma_wait3A, %dma_wait3A_59] : memref<128x40x125xi32, #tpu.memory_space<hbm>> -> memref<1x40x125xi32, #tpu.memory_space<hbm>>
      %dma_wait3A_61 = tpu.memref_squeeze %dma_wait3A_60 : memref<1x40x125xi32, #tpu.memory_space<hbm>> -> memref<40x125xi32, #tpu.memory_space<hbm>>
      %dma_wait3A_62 = arith.constant 0 : i32
      %dma_wait3A_63 = arith.constant 0 : i32
      %dma_wait3A_64 = tpu.memref_slice %arg2[%add3A_32, %dma_wait3A_62, %dma_wait3A_63] : memref<128x40x125xi32, #tpu.memory_space<hbm>> -> memref<1x40x125xi32, #tpu.memory_space<hbm>>
      %dma_wait3A_65 = tpu.memref_squeeze %dma_wait3A_64 : memref<1x40x125xi32, #tpu.memory_space<hbm>> -> memref<40x125xi32, #tpu.memory_space<hbm>>
      tpu.wait_dma2 semaphore(%run_scoped3A : memref<!tpu.dma_semaphore, #tpu.memory_space<semaphore_mem>>) src(%dma_wait3A_65 : memref<40x125xi32, #tpu.memory_space<hbm>>) dst(%arg7 : memref<40x125xi32, #tpu.memory_space<vmem>>)
      tpu.yield
    }) : () -> ()
    %dma_start3A_33 = arith.constant 0 : i32
    %dma_start3A_34 = arith.constant 0 : i32
    %dma_start3A_35 = tpu.memref_slice %arg6[%dma_start3A_33, %dma_start3A_34] : memref<40x125xi32, #tpu.memory_space<vmem>> -> memref<1x125xi32, #tpu.memory_space<vmem>>
    %dma_start3A_36 = tpu.memref_squeeze %dma_start3A_35 : memref<1x125xi32, #tpu.memory_space<vmem>> -> memref<125xi32, #tpu.memory_space<vmem>>
    %dma_start3A_37 = arith.constant 0 : i32
    %dma_start3A_38 = arith.constant 0 : i32
    %dma_start3A_39 = tpu.memref_slice %arg3[%dma_start3A_37, %dma_start3A_38] : memref<10000x128xf32, #tpu.memory_space<hbm>> -> memref<10000x128xf32, #tpu.memory_space<hbm>>
    tpu.enqueue_indirect_dma source(%dma_start3A_39 : memref<10000x128xf32, #tpu.memory_space<hbm>>) target(%arg8 : memref<125x128xf32, #tpu.memory_space<vmem>>) offsets(%dma_start3A_36 : memref<125xi32, #tpu.memory_space<vmem>>) semaphore(%arg10 : memref<!tpu.dma_semaphore, #tpu.memory_space<semaphore_mem>>)
    %scan3A_40 = arith.constant 0 : i32
    %scan3A_41 = arith.constant 40 : i32
    %scan3A_42 = arith.addi %scan3A_40, %scan3A_41 : i32
    %scan3A_43 = arith.constant 1 : i32
    scf.for %scan3A_51 = %scan3A_40 to %scan3A_42 step %scan3A_43  : i32 {
      %mul3A_52 = arith.constant 1 : i32
      %mul3A_53 = arith.muli %scan3A_51, %mul3A_52 : i32
      %add3A_54 = arith.constant 0 : i32
      %add3A_55 = arith.addi %add3A_54, %mul3A_53 : i32
      %jit3A = arith.constant 2 : i32
      %eq3A = arith.constant 0 : i32
      %eq3A_56 = arith.cmpi eq, %jit3A, %eq3A : i32
      %jit3A_57 = arith.constant 1 : i32
      %select_n3A = arith.select %eq3A_56, %jit3A_57, %jit3A : i32
      %rem3A = arith.remsi %add3A_55, %select_n3A : i32
      %ne3A = arith.constant 0 : i32
      %ne3A_58 = arith.cmpi ne, %rem3A, %ne3A : i32
      %lt3A_59 = arith.constant 0 : i32
      %lt3A_60 = arith.cmpi slt, %rem3A, %lt3A_59 : i32
      %lt3A_61 = arith.constant 0 : i32
      %lt3A_62 = arith.cmpi slt, %select_n3A, %lt3A_61 : i32
      %ne3A_63 = arith.xori %lt3A_60, %lt3A_62 : i1
      %and3A = arith.andi %ne3A_63, %ne3A_58 : i1
      %add3A_64 = arith.addi %rem3A, %select_n3A : i32
      %select_n3A_65 = arith.select %and3A, %add3A_64, %rem3A : i32
      %eq3A_66 = arith.constant 0 : i32
      %eq3A_67 = arith.cmpi eq, %select_n3A_65, %eq3A_66 : i32
      %convert_element_type3A_68 = arith.extui %eq3A_67 : i1 to i32
      %cond3A_69 = arith.constant 0 : i32
      %cond3A_70 = arith.cmpi ne, %convert_element_type3A_68, %cond3A_69 : i32
      scf.if %cond3A_70 {
        %lt3A_92 = arith.constant 39 : i32
        %lt3A_93 = arith.cmpi slt, %add3A_55, %lt3A_92 : i32
        %convert_element_type3A_94 = arith.extui %lt3A_93 : i1 to i32
        %cond3A_95 = arith.constant 0 : i32
        %cond3A_96 = arith.cmpi ne, %convert_element_type3A_94, %cond3A_95 : i32
        scf.if %cond3A_96 {
          %add3A_102 = arith.constant 1 : i32
          %add3A_103 = arith.addi %add3A_55, %add3A_102 : i32
          %dma_start3A_104 = arith.constant 0 : i32
          %dma_start3A_105 = tpu.memref_slice %arg6[%add3A_103, %dma_start3A_104] : memref<40x125xi32, #tpu.memory_space<vmem>> -> memref<1x125xi32, #tpu.memory_space<vmem>>
          %dma_start3A_106 = tpu.memref_squeeze %dma_start3A_105 : memref<1x125xi32, #tpu.memory_space<vmem>> -> memref<125xi32, #tpu.memory_space<vmem>>
          %dma_start3A_107 = arith.constant 0 : i32
          %dma_start3A_108 = arith.constant 0 : i32
          %dma_start3A_109 = tpu.memref_slice %arg3[%dma_start3A_107, %dma_start3A_108] : memref<10000x128xf32, #tpu.memory_space<hbm>> -> memref<10000x128xf32, #tpu.memory_space<hbm>>
          tpu.enqueue_indirect_dma source(%dma_start3A_109 : memref<10000x128xf32, #tpu.memory_space<hbm>>) target(%arg9 : memref<125x128xf32, #tpu.memory_space<vmem>>) offsets(%dma_start3A_106 : memref<125xi32, #tpu.memory_space<vmem>>) semaphore(%arg11 : memref<!tpu.dma_semaphore, #tpu.memory_space<semaphore_mem>>)
        } else {
        }
        %dma_wait3A = arith.constant 0 : i32
        %dma_wait3A_97 = tpu.memref_slice %arg6[%add3A_55, %dma_wait3A] : memref<40x125xi32, #tpu.memory_space<vmem>> -> memref<1x125xi32, #tpu.memory_space<vmem>>
        %dma_wait3A_98 = tpu.memref_squeeze %dma_wait3A_97 : memref<1x125xi32, #tpu.memory_space<vmem>> -> memref<125xi32, #tpu.memory_space<vmem>>
        %dma_wait3A_99 = arith.constant 0 : i32
        %dma_wait3A_100 = arith.constant 0 : i32
        %dma_wait3A_101 = tpu.memref_slice %arg3[%dma_wait3A_99, %dma_wait3A_100] : memref<10000x128xf32, #tpu.memory_space<hbm>> -> memref<10000x128xf32, #tpu.memory_space<hbm>>
        tpu.wait_indirect_dma semaphore(%arg10 : memref<!tpu.dma_semaphore, #tpu.memory_space<semaphore_mem>>) src(%dma_wait3A_101 : memref<10000x128xf32, #tpu.memory_space<hbm>>) dst(%arg8 : memref<125x128xf32, #tpu.memory_space<vmem>>)
        "tpu.region"() ({
          %run_scoped3A = tpu.sem_alloc : memref<!tpu.dma_semaphore, #tpu.memory_space<semaphore_mem>>
          %dma_start3A_102 = arith.constant 0 : i32
          %dma_start3A_103 = tpu.memref_slice %arg7[%add3A_55, %dma_start3A_102] : memref<40x125xi32, #tpu.memory_space<vmem>> -> memref<1x125xi32, #tpu.memory_space<vmem>>
          %dma_start3A_104 = tpu.memref_squeeze %dma_start3A_103 : memref<1x125xi32, #tpu.memory_space<vmem>> -> memref<125xi32, #tpu.memory_space<vmem>>
          %dma_start3A_105 = arith.constant 0 : i32
          %dma_start3A_106 = arith.constant 0 : i32
          %dma_start3A_107 = tpu.memref_slice %arg12[%dma_start3A_105, %dma_start3A_106] : memref<10000x128xf32, #tpu.memory_space<vmem_shared>> -> memref<10000x128xf32, #tpu.memory_space<vmem_shared>>
          tpu.enqueue_indirect_dma source(%arg8 : memref<125x128xf32, #tpu.memory_space<vmem>>) target(%dma_start3A_107 : memref<10000x128xf32, #tpu.memory_space<vmem_shared>>) offsets(%dma_start3A_104 : memref<125xi32, #tpu.memory_space<vmem>>) semaphore(%run_scoped3A : memref<!tpu.dma_semaphore, #tpu.memory_space<semaphore_mem>>) {add = true}
          %dma_wait3A_108 = arith.constant 0 : i32
          %dma_wait3A_109 = tpu.memref_slice %arg7[%add3A_55, %dma_wait3A_108] : memref<40x125xi32, #tpu.memory_space<vmem>> -> memref<1x125xi32, #tpu.memory_space<vmem>>
          %dma_wait3A_110 = tpu.memref_squeeze %dma_wait3A_109 : memref<1x125xi32, #tpu.memory_space<vmem>> -> memref<125xi32, #tpu.memory_space<vmem>>
          %dma_wait3A_111 = arith.constant 0 : i32
          %dma_wait3A_112 = arith.constant 0 : i32
          %dma_wait3A_113 = tpu.memref_slice %arg12[%dma_wait3A_111, %dma_wait3A_112] : memref<10000x128xf32, #tpu.memory_space<vmem_shared>> -> memref<10000x128xf32, #tpu.memory_space<vmem_shared>>
          tpu.wait_indirect_dma semaphore(%run_scoped3A : memref<!tpu.dma_semaphore, #tpu.memory_space<semaphore_mem>>) src(%arg8 : memref<125x128xf32, #tpu.memory_space<vmem>>) dst(%dma_wait3A_113 : memref<10000x128xf32, #tpu.memory_space<vmem_shared>>)
          tpu.yield
        }) : () -> ()
      } else {
      }
      %jit3A_71 = arith.constant 2 : i32
      %eq3A_72 = arith.constant 0 : i32
      %eq3A_73 = arith.cmpi eq, %jit3A_71, %eq3A_72 : i32
      %jit3A_74 = arith.constant 1 : i32
      %select_n3A_75 = arith.select %eq3A_73, %jit3A_74, %jit3A_71 : i32
      %rem3A_76 = arith.remsi %add3A_55, %select_n3A_75 : i32
      %ne3A_77 = arith.constant 0 : i32
      %ne3A_78 = arith.cmpi ne, %rem3A_76, %ne3A_77 : i32
      %lt3A_79 = arith.constant 0 : i32
      %lt3A_80 = arith.cmpi slt, %rem3A_76, %lt3A_79 : i32
      %lt3A_81 = arith.constant 0 : i32
      %lt3A_82 = arith.cmpi slt, %select_n3A_75, %lt3A_81 : i32
      %ne3A_83 = arith.xori %lt3A_80, %lt3A_82 : i1
      %and3A_84 = arith.andi %ne3A_83, %ne3A_78 : i1
      %add3A_85 = arith.addi %rem3A_76, %select_n3A_75 : i32
      %select_n3A_86 = arith.select %and3A_84, %add3A_85, %rem3A_76 : i32
      %eq3A_87 = arith.constant 1 : i32
      %eq3A_88 = arith.cmpi eq, %select_n3A_86, %eq3A_87 : i32
      %convert_element_type3A_89 = arith.extui %eq3A_88 : i1 to i32
      %cond3A_90 = arith.constant 0 : i32
      %cond3A_91 = arith.cmpi ne, %convert_element_type3A_89, %cond3A_90 : i32
      scf.if %cond3A_91 {
        %lt3A_92 = arith.constant 39 : i32
        %lt3A_93 = arith.cmpi slt, %add3A_55, %lt3A_92 : i32
        %convert_element_type3A_94 = arith.extui %lt3A_93 : i1 to i32
        %cond3A_95 = arith.constant 0 : i32
        %cond3A_96 = arith.cmpi ne, %convert_element_type3A_94, %cond3A_95 : i32
        scf.if %cond3A_96 {
          %add3A_102 = arith.constant 1 : i32
          %add3A_103 = arith.addi %add3A_55, %add3A_102 : i32
          %dma_start3A_104 = arith.constant 0 : i32
          %dma_start3A_105 = tpu.memref_slice %arg6[%add3A_103, %dma_start3A_104] : memref<40x125xi32, #tpu.memory_space<vmem>> -> memref<1x125xi32, #tpu.memory_space<vmem>>
          %dma_start3A_106 = tpu.memref_squeeze %dma_start3A_105 : memref<1x125xi32, #tpu.memory_space<vmem>> -> memref<125xi32, #tpu.memory_space<vmem>>
          %dma_start3A_107 = arith.constant 0 : i32
          %dma_start3A_108 = arith.constant 0 : i32
          %dma_start3A_109 = tpu.memref_slice %arg3[%dma_start3A_107, %dma_start3A_108] : memref<10000x128xf32, #tpu.memory_space<hbm>> -> memref<10000x128xf32, #tpu.memory_space<hbm>>
          tpu.enqueue_indirect_dma source(%dma_start3A_109 : memref<10000x128xf32, #tpu.memory_space<hbm>>) target(%arg8 : memref<125x128xf32, #tpu.memory_space<vmem>>) offsets(%dma_start3A_106 : memref<125xi32, #tpu.memory_space<vmem>>) semaphore(%arg10 : memref<!tpu.dma_semaphore, #tpu.memory_space<semaphore_mem>>)
        } else {
        }
        %dma_wait3A = arith.constant 0 : i32
        %dma_wait3A_97 = tpu.memref_slice %arg6[%add3A_55, %dma_wait3A] : memref<40x125xi32, #tpu.memory_space<vmem>> -> memref<1x125xi32, #tpu.memory_space<vmem>>
        %dma_wait3A_98 = tpu.memref_squeeze %dma_wait3A_97 : memref<1x125xi32, #tpu.memory_space<vmem>> -> memref<125xi32, #tpu.memory_space<vmem>>
        %dma_wait3A_99 = arith.constant 0 : i32
        %dma_wait3A_100 = arith.constant 0 : i32
        %dma_wait3A_101 = tpu.memref_slice %arg3[%dma_wait3A_99, %dma_wait3A_100] : memref<10000x128xf32, #tpu.memory_space<hbm>> -> memref<10000x128xf32, #tpu.memory_space<hbm>>
        tpu.wait_indirect_dma semaphore(%arg11 : memref<!tpu.dma_semaphore, #tpu.memory_space<semaphore_mem>>) src(%dma_wait3A_101 : memref<10000x128xf32, #tpu.memory_space<hbm>>) dst(%arg9 : memref<125x128xf32, #tpu.memory_space<vmem>>)
        "tpu.region"() ({
          %run_scoped3A = tpu.sem_alloc : memref<!tpu.dma_semaphore, #tpu.memory_space<semaphore_mem>>
          %dma_start3A_102 = arith.constant 0 : i32
          %dma_start3A_103 = tpu.memref_slice %arg7[%add3A_55, %dma_start3A_102] : memref<40x125xi32, #tpu.memory_space<vmem>> -> memref<1x125xi32, #tpu.memory_space<vmem>>
          %dma_start3A_104 = tpu.memref_squeeze %dma_start3A_103 : memref<1x125xi32, #tpu.memory_space<vmem>> -> memref<125xi32, #tpu.memory_space<vmem>>
          %dma_start3A_105 = arith.constant 0 : i32
          %dma_start3A_106 = arith.constant 0 : i32
          %dma_start3A_107 = tpu.memref_slice %arg12[%dma_start3A_105, %dma_start3A_106] : memref<10000x128xf32, #tpu.memory_space<vmem_shared>> -> memref<10000x128xf32, #tpu.memory_space<vmem_shared>>
          tpu.enqueue_indirect_dma source(%arg9 : memref<125x128xf32, #tpu.memory_space<vmem>>) target(%dma_start3A_107 : memref<10000x128xf32, #tpu.memory_space<vmem_shared>>) offsets(%dma_start3A_104 : memref<125xi32, #tpu.memory_space<vmem>>) semaphore(%run_scoped3A : memref<!tpu.dma_semaphore, #tpu.memory_space<semaphore_mem>>) {add = true}
          %dma_wait3A_108 = arith.constant 0 : i32
          %dma_wait3A_109 = tpu.memref_slice %arg7[%add3A_55, %dma_wait3A_108] : memref<40x125xi32, #tpu.memory_space<vmem>> -> memref<1x125xi32, #tpu.memory_space<vmem>>
          %dma_wait3A_110 = tpu.memref_squeeze %dma_wait3A_109 : memref<1x125xi32, #tpu.memory_space<vmem>> -> memref<125xi32, #tpu.memory_space<vmem>>
          %dma_wait3A_111 = arith.constant 0 : i32
          %dma_wait3A_112 = arith.constant 0 : i32
          %dma_wait3A_113 = tpu.memref_slice %arg12[%dma_wait3A_111, %dma_wait3A_112] : memref<10000x128xf32, #tpu.memory_space<vmem_shared>> -> memref<10000x128xf32, #tpu.memory_space<vmem_shared>>
          tpu.wait_indirect_dma semaphore(%run_scoped3A : memref<!tpu.dma_semaphore, #tpu.memory_space<semaphore_mem>>) src(%arg9 : memref<125x128xf32, #tpu.memory_space<vmem>>) dst(%dma_wait3A_113 : memref<10000x128xf32, #tpu.memory_space<vmem_shared>>)
          tpu.yield
        }) : () -> ()
      } else {
      }
    }
    %scan3A_44 = arith.constant 40 : i32
    %barrier3A_45 = arith.constant 0 : index
    tpu.barrier barrier_id(%barrier3A_45)
    %lt3A_46 = arith.constant 10 : i32
    %lt3A_47 = arith.cmpi slt, %arg1, %lt3A_46 : i32
    %convert_element_type3A_48 = arith.extui %lt3A_47 : i1 to i32
    %cond3A_49 = arith.constant 0 : i32
    %cond3A_50 = arith.cmpi ne, %convert_element_type3A_48, %cond3A_49 : i32
    scf.if %cond3A_50 {
      %mul3A_51 = arith.constant 1000 : i32
      %mul3A_52 = arith.muli %arg1, %mul3A_51 : i32
      "tpu.region"() ({
        %run_scoped3A = tpu.sem_alloc : memref<!tpu.dma_semaphore, #tpu.memory_space<semaphore_mem>>
        %dma_start3A_53 = arith.constant 0 : i32
        %dma_start3A_54 = tpu.memref_slice %arg5[%arg0, %mul3A_52, %dma_start3A_53] : memref<2x10000x128xf32, #tpu.memory_space<hbm>> -> memref<1x1000x128xf32, #tpu.memory_space<hbm>>
        %dma_start3A_55 = tpu.memref_squeeze %dma_start3A_54 : memref<1x1000x128xf32, #tpu.memory_space<hbm>> -> memref<1000x128xf32, #tpu.memory_space<hbm>>
        %dma_start3A_56 = arith.constant 0 : i32
        %dma_start3A_57 = tpu.memref_slice %arg12[%mul3A_52, %dma_start3A_56] : memref<10000x128xf32, #tpu.memory_space<vmem_shared>> -> memref<1000x128xf32, #tpu.memory_space<vmem_shared>>
        tpu.enqueue_dma source(%dma_start3A_57 : memref<1000x128xf32, #tpu.memory_space<vmem_shared>>) target(%dma_start3A_55 : memref<1000x128xf32, #tpu.memory_space<hbm>>) target_semaphore(%run_scoped3A : memref<!tpu.dma_semaphore, #tpu.memory_space<semaphore_mem>>)
        %dma_wait3A = arith.constant 0 : i32
        %dma_wait3A_58 = tpu.memref_slice %arg5[%arg0, %mul3A_52, %dma_wait3A] : memref<2x10000x128xf32, #tpu.memory_space<hbm>> -> memref<1x1000x128xf32, #tpu.memory_space<hbm>>
        %dma_wait3A_59 = tpu.memref_squeeze %dma_wait3A_58 : memref<1x1000x128xf32, #tpu.memory_space<hbm>> -> memref<1000x128xf32, #tpu.memory_space<hbm>>
        %dma_wait3A_60 = arith.constant 0 : i32
        %dma_wait3A_61 = tpu.memref_slice %arg12[%mul3A_52, %dma_wait3A_60] : memref<10000x128xf32, #tpu.memory_space<vmem_shared>> -> memref<1000x128xf32, #tpu.memory_space<vmem_shared>>
        tpu.wait_dma2 semaphore(%run_scoped3A : memref<!tpu.dma_semaphore, #tpu.memory_space<semaphore_mem>>) src(%dma_wait3A_61 : memref<1000x128xf32, #tpu.memory_space<vmem_shared>>) dst(%dma_wait3A_59 : memref<1000x128xf32, #tpu.memory_space<hbm>>)
        tpu.yield
      }) : () -> ()
    } else {
    }
    return
  }
}

#map = affine_map<(d0, d1) -> (0, 0, 0)>
#map1 = affine_map<(d0, d1) -> (0)>
module attributes {stable_mosaic.version = 14 : i64} {
  func.func @_sc_degree(%arg0: i32, %arg1: i32, %arg2: memref<128x40x125xi32, #tpu.memory_space<hbm>>, %arg3: memref<125xf32, #tpu.memory_space<hbm>>, %arg4: memref<10000xf32, #tpu.memory_space<hbm>>, %arg5: memref<20000xf32, #tpu.memory_space<hbm>>, %arg6: memref<40x125xi32, #tpu.memory_space<vmem>>, %arg7: memref<125xf32, #tpu.memory_space<vmem>>, %arg8: memref<1000xf32, #tpu.memory_space<vmem>>, %arg9: memref<10000xf32, #tpu.memory_space<vmem_shared>>) attributes {dimension_semantics = [#tpu.dimension_semantics<core_parallel>, #tpu.dimension_semantics<subcore_parallel>], iteration_bounds = array<i64: 2, 16>, scalar_prefetch = 0 : i64, scratch_operands = 4 : i64, tpu.core_type = #tpu.core_type<sc_vector_subcore>, window_params = [{transform_indices = #map}, {transform_indices = #map1}, {transform_indices = #map1}, {transform_indices = #map1}]} {
    %mul3A = arith.constant 16 : i32
    %mul3A_0 = arith.muli %arg0, %mul3A : i32
    %add3A = arith.addi %mul3A_0, %arg1 : i32
    %lt3A = arith.constant 10 : i32
    %lt3A_1 = arith.cmpi slt, %arg1, %lt3A : i32
    %convert_element_type3A = arith.extui %lt3A_1 : i1 to i32
    %cond3A = arith.constant 0 : i32
    %cond3A_2 = arith.cmpi ne, %convert_element_type3A, %cond3A : i32
    scf.if %cond3A_2 {
      %mul3A_30 = arith.constant 1000 : i32
      %mul3A_31 = arith.muli %arg1, %mul3A_30 : i32
      "tpu.region"() ({
        %run_scoped3A = tpu.sem_alloc : memref<!tpu.dma_semaphore, #tpu.memory_space<semaphore_mem>>
        %dma_start3A = tpu.memref_slice %arg4[%mul3A_31] : memref<10000xf32, #tpu.memory_space<hbm>> -> memref<1000xf32, #tpu.memory_space<hbm>>
        %dma_start3A_32 = tpu.memref_slice %arg4[%mul3A_31] : memref<10000xf32, #tpu.memory_space<hbm>> -> memref<1000xf32, #tpu.memory_space<hbm>>
        tpu.enqueue_dma source(%dma_start3A_32 : memref<1000xf32, #tpu.memory_space<hbm>>) target(%arg8 : memref<1000xf32, #tpu.memory_space<vmem>>) target_semaphore(%run_scoped3A : memref<!tpu.dma_semaphore, #tpu.memory_space<semaphore_mem>>)
        %dma_wait3A = tpu.memref_slice %arg4[%mul3A_31] : memref<10000xf32, #tpu.memory_space<hbm>> -> memref<1000xf32, #tpu.memory_space<hbm>>
        %dma_wait3A_33 = tpu.memref_slice %arg4[%mul3A_31] : memref<10000xf32, #tpu.memory_space<hbm>> -> memref<1000xf32, #tpu.memory_space<hbm>>
        tpu.wait_dma2 semaphore(%run_scoped3A : memref<!tpu.dma_semaphore, #tpu.memory_space<semaphore_mem>>) src(%dma_wait3A_33 : memref<1000xf32, #tpu.memory_space<hbm>>) dst(%arg8 : memref<1000xf32, #tpu.memory_space<vmem>>)
        tpu.yield
      }) : () -> ()
      "tpu.region"() ({
        %run_scoped3A = tpu.sem_alloc : memref<!tpu.dma_semaphore, #tpu.memory_space<semaphore_mem>>
        %dma_start3A = tpu.memref_slice %arg9[%mul3A_31] : memref<10000xf32, #tpu.memory_space<vmem_shared>> -> memref<1000xf32, #tpu.memory_space<vmem_shared>>
        %dma_start3A_32 = tpu.memref_slice %arg9[%mul3A_31] : memref<10000xf32, #tpu.memory_space<vmem_shared>> -> memref<1000xf32, #tpu.memory_space<vmem_shared>>
        tpu.enqueue_dma source(%arg8 : memref<1000xf32, #tpu.memory_space<vmem>>) target(%dma_start3A_32 : memref<1000xf32, #tpu.memory_space<vmem_shared>>) target_semaphore(%run_scoped3A : memref<!tpu.dma_semaphore, #tpu.memory_space<semaphore_mem>>)
        %dma_wait3A = tpu.memref_slice %arg9[%mul3A_31] : memref<10000xf32, #tpu.memory_space<vmem_shared>> -> memref<1000xf32, #tpu.memory_space<vmem_shared>>
        %dma_wait3A_33 = tpu.memref_slice %arg9[%mul3A_31] : memref<10000xf32, #tpu.memory_space<vmem_shared>> -> memref<1000xf32, #tpu.memory_space<vmem_shared>>
        tpu.wait_dma2 semaphore(%run_scoped3A : memref<!tpu.dma_semaphore, #tpu.memory_space<semaphore_mem>>) src(%arg8 : memref<1000xf32, #tpu.memory_space<vmem>>) dst(%dma_wait3A_33 : memref<1000xf32, #tpu.memory_space<vmem_shared>>)
        tpu.yield
      }) : () -> ()
    } else {
    }
    "tpu.region"() ({
      %run_scoped3A = tpu.sem_alloc : memref<!tpu.dma_semaphore, #tpu.memory_space<semaphore_mem>>
      tpu.enqueue_dma source(%arg3 : memref<125xf32, #tpu.memory_space<hbm>>) target(%arg7 : memref<125xf32, #tpu.memory_space<vmem>>) target_semaphore(%run_scoped3A : memref<!tpu.dma_semaphore, #tpu.memory_space<semaphore_mem>>)
      tpu.wait_dma2 semaphore(%run_scoped3A : memref<!tpu.dma_semaphore, #tpu.memory_space<semaphore_mem>>) src(%arg3 : memref<125xf32, #tpu.memory_space<hbm>>) dst(%arg7 : memref<125xf32, #tpu.memory_space<vmem>>)
      tpu.yield
    }) : () -> ()
    %barrier3A = arith.constant 0 : index
    tpu.barrier barrier_id(%barrier3A)
    %mul3A_3 = arith.constant 2 : i32
    %mul3A_4 = arith.muli %mul3A_3, %add3A : i32
    %add3A_5 = arith.constant 64 : i32
    %add3A_6 = arith.addi %add3A_5, %mul3A_4 : i32
    %add3A_7 = arith.constant 0 : i32
    %add3A_8 = arith.addi %add3A_6, %add3A_7 : i32
    "tpu.region"() ({
      %run_scoped3A = tpu.sem_alloc : memref<!tpu.dma_semaphore, #tpu.memory_space<semaphore_mem>>
      %dma_start3A = arith.constant 0 : i32
      %dma_start3A_30 = arith.constant 0 : i32
      %dma_start3A_31 = tpu.memref_slice %arg2[%add3A_8, %dma_start3A, %dma_start3A_30] : memref<128x40x125xi32, #tpu.memory_space<hbm>> -> memref<1x40x125xi32, #tpu.memory_space<hbm>>
      %dma_start3A_32 = tpu.memref_squeeze %dma_start3A_31 : memref<1x40x125xi32, #tpu.memory_space<hbm>> -> memref<40x125xi32, #tpu.memory_space<hbm>>
      %dma_start3A_33 = arith.constant 0 : i32
      %dma_start3A_34 = arith.constant 0 : i32
      %dma_start3A_35 = tpu.memref_slice %arg2[%add3A_8, %dma_start3A_33, %dma_start3A_34] : memref<128x40x125xi32, #tpu.memory_space<hbm>> -> memref<1x40x125xi32, #tpu.memory_space<hbm>>
      %dma_start3A_36 = tpu.memref_squeeze %dma_start3A_35 : memref<1x40x125xi32, #tpu.memory_space<hbm>> -> memref<40x125xi32, #tpu.memory_space<hbm>>
      tpu.enqueue_dma source(%dma_start3A_36 : memref<40x125xi32, #tpu.memory_space<hbm>>) target(%arg6 : memref<40x125xi32, #tpu.memory_space<vmem>>) target_semaphore(%run_scoped3A : memref<!tpu.dma_semaphore, #tpu.memory_space<semaphore_mem>>)
      %dma_wait3A = arith.constant 0 : i32
      %dma_wait3A_37 = arith.constant 0 : i32
      %dma_wait3A_38 = tpu.memref_slice %arg2[%add3A_8, %dma_wait3A, %dma_wait3A_37] : memref<128x40x125xi32, #tpu.memory_space<hbm>> -> memref<1x40x125xi32, #tpu.memory_space<hbm>>
      %dma_wait3A_39 = tpu.memref_squeeze %dma_wait3A_38 : memref<1x40x125xi32, #tpu.memory_space<hbm>> -> memref<40x125xi32, #tpu.memory_space<hbm>>
      %dma_wait3A_40 = arith.constant 0 : i32
      %dma_wait3A_41 = arith.constant 0 : i32
      %dma_wait3A_42 = tpu.memref_slice %arg2[%add3A_8, %dma_wait3A_40, %dma_wait3A_41] : memref<128x40x125xi32, #tpu.memory_space<hbm>> -> memref<1x40x125xi32, #tpu.memory_space<hbm>>
      %dma_wait3A_43 = tpu.memref_squeeze %dma_wait3A_42 : memref<1x40x125xi32, #tpu.memory_space<hbm>> -> memref<40x125xi32, #tpu.memory_space<hbm>>
      tpu.wait_dma2 semaphore(%run_scoped3A : memref<!tpu.dma_semaphore, #tpu.memory_space<semaphore_mem>>) src(%dma_wait3A_43 : memref<40x125xi32, #tpu.memory_space<hbm>>) dst(%arg6 : memref<40x125xi32, #tpu.memory_space<vmem>>)
      tpu.yield
    }) : () -> ()
    %scan3A = arith.constant 0 : i32
    %scan3A_9 = arith.constant 40 : i32
    %scan3A_10 = arith.addi %scan3A, %scan3A_9 : i32
    %scan3A_11 = arith.constant 1 : i32
    scf.for %scan3A_30 = %scan3A to %scan3A_10 step %scan3A_11  : i32 {
      %mul3A_31 = arith.constant 1 : i32
      %mul3A_32 = arith.muli %scan3A_30, %mul3A_31 : i32
      %add3A_33 = arith.constant 0 : i32
      %add3A_34 = arith.addi %add3A_33, %mul3A_32 : i32
      "tpu.region"() ({
        %run_scoped3A = tpu.sem_alloc : memref<!tpu.dma_semaphore, #tpu.memory_space<semaphore_mem>>
        %dma_start3A = arith.constant 0 : i32
        %dma_start3A_35 = tpu.memref_slice %arg6[%add3A_34, %dma_start3A] : memref<40x125xi32, #tpu.memory_space<vmem>> -> memref<1x125xi32, #tpu.memory_space<vmem>>
        %dma_start3A_36 = tpu.memref_squeeze %dma_start3A_35 : memref<1x125xi32, #tpu.memory_space<vmem>> -> memref<125xi32, #tpu.memory_space<vmem>>
        %dma_start3A_37 = arith.constant 0 : i32
        %dma_start3A_38 = tpu.memref_slice %arg9[%dma_start3A_37] : memref<10000xf32, #tpu.memory_space<vmem_shared>> -> memref<10000xf32, #tpu.memory_space<vmem_shared>>
        tpu.enqueue_indirect_dma source(%arg7 : memref<125xf32, #tpu.memory_space<vmem>>) target(%dma_start3A_38 : memref<10000xf32, #tpu.memory_space<vmem_shared>>) offsets(%dma_start3A_36 : memref<125xi32, #tpu.memory_space<vmem>>) semaphore(%run_scoped3A : memref<!tpu.dma_semaphore, #tpu.memory_space<semaphore_mem>>) {add = true}
        %dma_wait3A = arith.constant 0 : i32
        %dma_wait3A_39 = tpu.memref_slice %arg6[%add3A_34, %dma_wait3A] : memref<40x125xi32, #tpu.memory_space<vmem>> -> memref<1x125xi32, #tpu.memory_space<vmem>>
        %dma_wait3A_40 = tpu.memref_squeeze %dma_wait3A_39 : memref<1x125xi32, #tpu.memory_space<vmem>> -> memref<125xi32, #tpu.memory_space<vmem>>
        %dma_wait3A_41 = arith.constant 0 : i32
        %dma_wait3A_42 = tpu.memref_slice %arg9[%dma_wait3A_41] : memref<10000xf32, #tpu.memory_space<vmem_shared>> -> memref<10000xf32, #tpu.memory_space<vmem_shared>>
        tpu.wait_indirect_dma semaphore(%run_scoped3A : memref<!tpu.dma_semaphore, #tpu.memory_space<semaphore_mem>>) src(%arg7 : memref<125xf32, #tpu.memory_space<vmem>>) dst(%dma_wait3A_42 : memref<10000xf32, #tpu.memory_space<vmem_shared>>)
        tpu.yield
      }) : () -> ()
    }
    %scan3A_12 = arith.constant 40 : i32
    %mul3A_13 = arith.constant 2 : i32
    %mul3A_14 = arith.muli %mul3A_13, %add3A : i32
    %add3A_15 = arith.constant 64 : i32
    %add3A_16 = arith.addi %add3A_15, %mul3A_14 : i32
    %add3A_17 = arith.constant 1 : i32
    %add3A_18 = arith.addi %add3A_16, %add3A_17 : i32
    "tpu.region"() ({
      %run_scoped3A = tpu.sem_alloc : memref<!tpu.dma_semaphore, #tpu.memory_space<semaphore_mem>>
      %dma_start3A = arith.constant 0 : i32
      %dma_start3A_30 = arith.constant 0 : i32
      %dma_start3A_31 = tpu.memref_slice %arg2[%add3A_18, %dma_start3A, %dma_start3A_30] : memref<128x40x125xi32, #tpu.memory_space<hbm>> -> memref<1x40x125xi32, #tpu.memory_space<hbm>>
      %dma_start3A_32 = tpu.memref_squeeze %dma_start3A_31 : memref<1x40x125xi32, #tpu.memory_space<hbm>> -> memref<40x125xi32, #tpu.memory_space<hbm>>
      %dma_start3A_33 = arith.constant 0 : i32
      %dma_start3A_34 = arith.constant 0 : i32
      %dma_start3A_35 = tpu.memref_slice %arg2[%add3A_18, %dma_start3A_33, %dma_start3A_34] : memref<128x40x125xi32, #tpu.memory_space<hbm>> -> memref<1x40x125xi32, #tpu.memory_space<hbm>>
      %dma_start3A_36 = tpu.memref_squeeze %dma_start3A_35 : memref<1x40x125xi32, #tpu.memory_space<hbm>> -> memref<40x125xi32, #tpu.memory_space<hbm>>
      tpu.enqueue_dma source(%dma_start3A_36 : memref<40x125xi32, #tpu.memory_space<hbm>>) target(%arg6 : memref<40x125xi32, #tpu.memory_space<vmem>>) target_semaphore(%run_scoped3A : memref<!tpu.dma_semaphore, #tpu.memory_space<semaphore_mem>>)
      %dma_wait3A = arith.constant 0 : i32
      %dma_wait3A_37 = arith.constant 0 : i32
      %dma_wait3A_38 = tpu.memref_slice %arg2[%add3A_18, %dma_wait3A, %dma_wait3A_37] : memref<128x40x125xi32, #tpu.memory_space<hbm>> -> memref<1x40x125xi32, #tpu.memory_space<hbm>>
      %dma_wait3A_39 = tpu.memref_squeeze %dma_wait3A_38 : memref<1x40x125xi32, #tpu.memory_space<hbm>> -> memref<40x125xi32, #tpu.memory_space<hbm>>
      %dma_wait3A_40 = arith.constant 0 : i32
      %dma_wait3A_41 = arith.constant 0 : i32
      %dma_wait3A_42 = tpu.memref_slice %arg2[%add3A_18, %dma_wait3A_40, %dma_wait3A_41] : memref<128x40x125xi32, #tpu.memory_space<hbm>> -> memref<1x40x125xi32, #tpu.memory_space<hbm>>
      %dma_wait3A_43 = tpu.memref_squeeze %dma_wait3A_42 : memref<1x40x125xi32, #tpu.memory_space<hbm>> -> memref<40x125xi32, #tpu.memory_space<hbm>>
      tpu.wait_dma2 semaphore(%run_scoped3A : memref<!tpu.dma_semaphore, #tpu.memory_space<semaphore_mem>>) src(%dma_wait3A_43 : memref<40x125xi32, #tpu.memory_space<hbm>>) dst(%arg6 : memref<40x125xi32, #tpu.memory_space<vmem>>)
      tpu.yield
    }) : () -> ()
    %scan3A_19 = arith.constant 0 : i32
    %scan3A_20 = arith.constant 40 : i32
    %scan3A_21 = arith.addi %scan3A_19, %scan3A_20 : i32
    %scan3A_22 = arith.constant 1 : i32
    scf.for %scan3A_30 = %scan3A_19 to %scan3A_21 step %scan3A_22  : i32 {
      %mul3A_31 = arith.constant 1 : i32
      %mul3A_32 = arith.muli %scan3A_30, %mul3A_31 : i32
      %add3A_33 = arith.constant 0 : i32
      %add3A_34 = arith.addi %add3A_33, %mul3A_32 : i32
      "tpu.region"() ({
        %run_scoped3A = tpu.sem_alloc : memref<!tpu.dma_semaphore, #tpu.memory_space<semaphore_mem>>
        %dma_start3A = arith.constant 0 : i32
        %dma_start3A_35 = tpu.memref_slice %arg6[%add3A_34, %dma_start3A] : memref<40x125xi32, #tpu.memory_space<vmem>> -> memref<1x125xi32, #tpu.memory_space<vmem>>
        %dma_start3A_36 = tpu.memref_squeeze %dma_start3A_35 : memref<1x125xi32, #tpu.memory_space<vmem>> -> memref<125xi32, #tpu.memory_space<vmem>>
        %dma_start3A_37 = arith.constant 0 : i32
        %dma_start3A_38 = tpu.memref_slice %arg9[%dma_start3A_37] : memref<10000xf32, #tpu.memory_space<vmem_shared>> -> memref<10000xf32, #tpu.memory_space<vmem_shared>>
        tpu.enqueue_indirect_dma source(%arg7 : memref<125xf32, #tpu.memory_space<vmem>>) target(%dma_start3A_38 : memref<10000xf32, #tpu.memory_space<vmem_shared>>) offsets(%dma_start3A_36 : memref<125xi32, #tpu.memory_space<vmem>>) semaphore(%run_scoped3A : memref<!tpu.dma_semaphore, #tpu.memory_space<semaphore_mem>>) {add = true}
        %dma_wait3A = arith.constant 0 : i32
        %dma_wait3A_39 = tpu.memref_slice %arg6[%add3A_34, %dma_wait3A] : memref<40x125xi32, #tpu.memory_space<vmem>> -> memref<1x125xi32, #tpu.memory_space<vmem>>
        %dma_wait3A_40 = tpu.memref_squeeze %dma_wait3A_39 : memref<1x125xi32, #tpu.memory_space<vmem>> -> memref<125xi32, #tpu.memory_space<vmem>>
        %dma_wait3A_41 = arith.constant 0 : i32
        %dma_wait3A_42 = tpu.memref_slice %arg9[%dma_wait3A_41] : memref<10000xf32, #tpu.memory_space<vmem_shared>> -> memref<10000xf32, #tpu.memory_space<vmem_shared>>
        tpu.wait_indirect_dma semaphore(%run_scoped3A : memref<!tpu.dma_semaphore, #tpu.memory_space<semaphore_mem>>) src(%arg7 : memref<125xf32, #tpu.memory_space<vmem>>) dst(%dma_wait3A_42 : memref<10000xf32, #tpu.memory_space<vmem_shared>>)
        tpu.yield
      }) : () -> ()
    }
    %scan3A_23 = arith.constant 40 : i32
    %barrier3A_24 = arith.constant 0 : index
    tpu.barrier barrier_id(%barrier3A_24)
    %lt3A_25 = arith.constant 10 : i32
    %lt3A_26 = arith.cmpi slt, %arg1, %lt3A_25 : i32
    %convert_element_type3A_27 = arith.extui %lt3A_26 : i1 to i32
    %cond3A_28 = arith.constant 0 : i32
    %cond3A_29 = arith.cmpi ne, %convert_element_type3A_27, %cond3A_28 : i32
    scf.if %cond3A_29 {
      %mul3A_30 = arith.constant 1000 : i32
      %mul3A_31 = arith.muli %arg1, %mul3A_30 : i32
      "tpu.region"() ({
        %run_scoped3A = tpu.sem_alloc : memref<!tpu.dma_semaphore, #tpu.memory_space<semaphore_mem>>
        %dma_start3A = tpu.memref_slice %arg9[%mul3A_31] : memref<10000xf32, #tpu.memory_space<vmem_shared>> -> memref<1000xf32, #tpu.memory_space<vmem_shared>>
        %dma_start3A_37 = tpu.memref_slice %arg9[%mul3A_31] : memref<10000xf32, #tpu.memory_space<vmem_shared>> -> memref<1000xf32, #tpu.memory_space<vmem_shared>>
        tpu.enqueue_dma source(%dma_start3A_37 : memref<1000xf32, #tpu.memory_space<vmem_shared>>) target(%arg8 : memref<1000xf32, #tpu.memory_space<vmem>>) target_semaphore(%run_scoped3A : memref<!tpu.dma_semaphore, #tpu.memory_space<semaphore_mem>>)
        %dma_wait3A = tpu.memref_slice %arg9[%mul3A_31] : memref<10000xf32, #tpu.memory_space<vmem_shared>> -> memref<1000xf32, #tpu.memory_space<vmem_shared>>
        %dma_wait3A_38 = tpu.memref_slice %arg9[%mul3A_31] : memref<10000xf32, #tpu.memory_space<vmem_shared>> -> memref<1000xf32, #tpu.memory_space<vmem_shared>>
        tpu.wait_dma2 semaphore(%run_scoped3A : memref<!tpu.dma_semaphore, #tpu.memory_space<semaphore_mem>>) src(%dma_wait3A_38 : memref<1000xf32, #tpu.memory_space<vmem_shared>>) dst(%arg8 : memref<1000xf32, #tpu.memory_space<vmem>>)
        tpu.yield
      }) : () -> ()
      %mul3A_32 = arith.constant 10000 : i32
      %mul3A_33 = arith.muli %arg0, %mul3A_32 : i32
      %mul3A_34 = arith.constant 1000 : i32
      %mul3A_35 = arith.muli %arg1, %mul3A_34 : i32
      %add3A_36 = arith.addi %mul3A_33, %mul3A_35 : i32
      "tpu.region"() ({
        %run_scoped3A = tpu.sem_alloc : memref<!tpu.dma_semaphore, #tpu.memory_space<semaphore_mem>>
        %dma_start3A = tpu.memref_slice %arg5[%add3A_36] : memref<20000xf32, #tpu.memory_space<hbm>> -> memref<1000xf32, #tpu.memory_space<hbm>>
        %dma_start3A_37 = tpu.memref_slice %arg5[%add3A_36] : memref<20000xf32, #tpu.memory_space<hbm>> -> memref<1000xf32, #tpu.memory_space<hbm>>
        tpu.enqueue_dma source(%arg8 : memref<1000xf32, #tpu.memory_space<vmem>>) target(%dma_start3A_37 : memref<1000xf32, #tpu.memory_space<hbm>>) target_semaphore(%run_scoped3A : memref<!tpu.dma_semaphore, #tpu.memory_space<semaphore_mem>>)
        %dma_wait3A = tpu.memref_slice %arg5[%add3A_36] : memref<20000xf32, #tpu.memory_space<hbm>> -> memref<1000xf32, #tpu.memory_space<hbm>>
        %dma_wait3A_38 = tpu.memref_slice %arg5[%add3A_36] : memref<20000xf32, #tpu.memory_space<hbm>> -> memref<1000xf32, #tpu.memory_space<hbm>>
        tpu.wait_dma2 semaphore(%run_scoped3A : memref<!tpu.dma_semaphore, #tpu.memory_space<semaphore_mem>>) src(%arg8 : memref<1000xf32, #tpu.memory_space<vmem>>) dst(%dma_wait3A_38 : memref<1000xf32, #tpu.memory_space<hbm>>)
        tpu.yield
      }) : () -> ()
    } else {
    }
    return
  }
}

module attributes {stable_mosaic.version = 14 : i64} {
  func.func @_tc_mm_body(%arg0: i32, %arg1: memref<2000x128xf32, #tpu.memory_space<vmem>>, %arg2: memref<128x128xf32, #tpu.memory_space<vmem>>, %arg3: memref<2000x128xf32, #tpu.memory_space<vmem>>) attributes {dimension_semantics = [#tpu.dimension_semantics<arbitrary>], iteration_bounds = array<i64: 5>, scalar_prefetch = 0 : i64, scratch_operands = 0 : i64, tpu.core_type = #tpu.core_type<tc>, window_params = [{transform_indices = @transform_0, window_bounds = array<i64: 2000, 128>}, {pipeline_mode = #tpu.pipeline_mode<synchronous>, transform_indices = @transform_1, window_bounds = array<i64: 128, 128>}, {transform_indices = @transform_2, window_bounds = array<i64: 2000, 128>}]} {
    %get3A = arith.constant 0 : index
    %get3A_0 = arith.constant 0 : index
    %get3A_1 = vector.load %arg1[%get3A, %get3A_0] : memref<2000x128xf32, #tpu.memory_space<vmem>>, vector<2000x128xf32>
    %get3A_2 = arith.constant 0 : index
    %get3A_3 = arith.constant 0 : index
    %get3A_4 = vector.load %arg2[%get3A_2, %get3A_3] : memref<128x128xf32, #tpu.memory_space<vmem>>, vector<128x128xf32>
    %dot_general3A = arith.constant dense<0.000000e+00> : vector<2000x128xf32>
    %dot_general3A_5 = tpu.matmul %get3A_1, %get3A_4, %dot_general3A {dimension_numbers = #tpu.dot_dimension_numbers<[1], [0], [0], [1], [0, 0, 1, 1], [], []>, transpose_lhs_hint = false} : vector<2000x128xf32>, vector<128x128xf32>, vector<2000x128xf32> -> vector<2000x128xf32>
    %swap3A = arith.constant 0 : index
    %swap3A_6 = arith.constant 0 : index
    %swap3A_7 = vector.load %arg3[%swap3A, %swap3A_6] : memref<2000x128xf32, #tpu.memory_space<vmem>>, vector<2000x128xf32>
    tpu.vector_store %arg3[%swap3A, %swap3A_6], %dot_general3A_5 {strides = array<i32>} : memref<2000x128xf32, #tpu.memory_space<vmem>>, vector<2000x128xf32>,
    return
  }
  func.func @transform_0(%arg0: i32) -> (i32, i32) {
    %c0_i32 = arith.constant 0 : i32
    %c0_i32_0 = arith.constant 0 : i32
    return %arg0, %c0_i32 : i32, i32
  }
  func.func @transform_1(%arg0: i32) -> (i32, i32) {
    %c0_i32 = arith.constant 0 : i32
    %c0_i32_0 = arith.constant 0 : i32
    %c0_i32_1 = arith.constant 0 : i32
    return %c0_i32, %c0_i32_0 : i32, i32
  }
  func.func @transform_2(%arg0: i32) -> (i32, i32) {
    %c0_i32 = arith.constant 0 : i32
    %c0_i32_0 = arith.constant 0 : i32
    return %arg0, %c0_i32 : i32, i32
  }
}

module attributes {stable_mosaic.version = 14 : i64} {
  func.func @_tc_scale_body(%arg0: i32, %arg1: memref<2000x128xf32, #tpu.memory_space<vmem>>, %arg2: memref<2000x1xf32, #tpu.memory_space<vmem>>, %arg3: memref<2000x128xf32, #tpu.memory_space<vmem>>) attributes {dimension_semantics = [#tpu.dimension_semantics<arbitrary>], iteration_bounds = array<i64: 5>, scalar_prefetch = 0 : i64, scratch_operands = 0 : i64, tpu.core_type = #tpu.core_type<tc>, window_params = [{transform_indices = @transform_0, window_bounds = array<i64: 2000, 128>}, {transform_indices = @transform_1, window_bounds = array<i64: 2000, 1>}, {transform_indices = @transform_2, window_bounds = array<i64: 2000, 128>}]} {
    %get3A = arith.constant 0 : index
    %get3A_0 = arith.constant 0 : index
    %get3A_1 = vector.load %arg2[%get3A, %get3A_0] : memref<2000x1xf32, #tpu.memory_space<vmem>>, vector<2000x1xf32>
    %add3A = arith.constant 1.000000e+00 : f32
    %add3A_2 = vector.broadcast %add3A : f32 to vector<2000x1xf32>
    %add3A_3 = arith.addf %get3A_1, %add3A_2 : vector<2000x1xf32>
    %rsqrt3A = math.rsqrt %add3A_3 : vector<2000x1xf32>
    %get3A_4 = arith.constant 0 : index
    %get3A_5 = arith.constant 0 : index
    %get3A_6 = vector.load %arg1[%get3A_4, %get3A_5] : memref<2000x128xf32, #tpu.memory_space<vmem>>, vector<2000x128xf32>
    %mul3A = vector.broadcast %rsqrt3A : vector<2000x1xf32> to vector<2000x128xf32>
    %mul3A_7 = arith.mulf %get3A_6, %mul3A : vector<2000x128xf32>
    %swap3A = arith.constant 0 : index
    %swap3A_8 = arith.constant 0 : index
    %swap3A_9 = vector.load %arg3[%swap3A, %swap3A_8] : memref<2000x128xf32, #tpu.memory_space<vmem>>, vector<2000x128xf32>
    tpu.vector_store %arg3[%swap3A, %swap3A_8], %mul3A_7 {strides = array<i32>} : memref<2000x128xf32, #tpu.memory_space<vmem>>, vector<2000x128xf32>,
    return
  }
  func.func @transform_0(%arg0: i32) -> (i32, i32) {
    %c0_i32 = arith.constant 0 : i32
    %c0_i32_0 = arith.constant 0 : i32
    return %arg0, %c0_i32 : i32, i32
  }
  func.func @transform_1(%arg0: i32) -> (i32, i32) {
    %c0_i32 = arith.constant 0 : i32
    %c0_i32_0 = arith.constant 0 : i32
    return %arg0, %c0_i32 : i32, i32
  }
  func.func @transform_2(%arg0: i32) -> (i32, i32) {
    %c0_i32 = arith.constant 0 : i32
    %c0_i32_0 = arith.constant 0 : i32
    return %arg0, %c0_i32 : i32, i32
  }
}

module attributes {stable_mosaic.version = 14 : i64} {
  func.func @_tc_mid_body(%arg0: i32, %arg1: memref<1x2000x128xf32, #tpu.memory_space<vmem>>, %arg2: memref<1x2000x128xf32, #tpu.memory_space<vmem>>, %arg3: memref<2000x1xf32, #tpu.memory_space<vmem>>, %arg4: memref<128x128xf32, #tpu.memory_space<vmem>>, %arg5: memref<1x128xf32, #tpu.memory_space<vmem>>, %arg6: memref<2000x128xf32, #tpu.memory_space<vmem>>) attributes {dimension_semantics = [#tpu.dimension_semantics<arbitrary>], iteration_bounds = array<i64: 5>, scalar_prefetch = 0 : i64, scratch_operands = 0 : i64, tpu.core_type = #tpu.core_type<tc>, window_params = [{transform_indices = @transform_0, window_bounds = array<i64: 1, 2000, 128>}, {transform_indices = @transform_1, window_bounds = array<i64: 1, 2000, 128>}, {transform_indices = @transform_2, window_bounds = array<i64: 2000, 1>}, {pipeline_mode = #tpu.pipeline_mode<synchronous>, transform_indices = @transform_3, window_bounds = array<i64: 128, 128>}, {pipeline_mode = #tpu.pipeline_mode<synchronous>, transform_indices = @transform_4, window_bounds = array<i64: 1, 128>}, {transform_indices = @transform_5, window_bounds = array<i64: 2000, 128>}]} {
    %get3A = arith.constant 0 : index
    %get3A_0 = arith.constant 0 : index
    %get3A_1 = vector.load %arg3[%get3A, %get3A_0] : memref<2000x1xf32, #tpu.memory_space<vmem>>, vector<2000x1xf32>
    %add3A = arith.constant 1.000000e+00 : f32
    %add3A_2 = vector.broadcast %add3A : f32 to vector<2000x1xf32>
    %add3A_3 = arith.addf %get3A_1, %add3A_2 : vector<2000x1xf32>
    %rsqrt3A = math.rsqrt %add3A_3 : vector<2000x1xf32>
    %get3A_4 = arith.constant 0 : index
    %get3A_5 = arith.constant 0 : index
    %get3A_6 = arith.constant 0 : index
    %get3A_7 = vector.load %arg1[%get3A_4, %get3A_5, %get3A_6] : memref<1x2000x128xf32, #tpu.memory_space<vmem>>, vector<1x2000x128xf32>
    %get3A_8 = vector.shape_cast %get3A_7 : vector<1x2000x128xf32> to vector<2000x128xf32>
    %get3A_9 = arith.constant 0 : index
    %get3A_10 = arith.constant 0 : index
    %get3A_11 = arith.constant 0 : index
    %get3A_12 = vector.load %arg2[%get3A_9, %get3A_10, %get3A_11] : memref<1x2000x128xf32, #tpu.memory_space<vmem>>, vector<1x2000x128xf32>
    %get3A_13 = vector.shape_cast %get3A_12 : vector<1x2000x128xf32> to vector<2000x128xf32>
    %add3A_14 = arith.addf %get3A_8, %get3A_13 : vector<2000x128xf32>
    %mul3A = vector.broadcast %rsqrt3A : vector<2000x1xf32> to vector<2000x128xf32>
    %mul3A_15 = arith.mulf %add3A_14, %mul3A : vector<2000x128xf32>
    %get3A_16 = arith.constant 0 : index
    %get3A_17 = arith.constant 0 : index
    %get3A_18 = vector.load %arg5[%get3A_16, %get3A_17] : memref<1x128xf32, #tpu.memory_space<vmem>>, vector<1x128xf32>
    %add3A_19 = vector.broadcast %get3A_18 : vector<1x128xf32> to vector<2000x128xf32>
    %add3A_20 = arith.addf %mul3A_15, %add3A_19 : vector<2000x128xf32>
    %max3A = arith.constant 0.000000e+00 : f32
    %max3A_21 = vector.broadcast %max3A : f32 to vector<2000x128xf32>
    %max3A_22 = arith.maximumf %add3A_20, %max3A_21 : vector<2000x128xf32>
    %get3A_23 = arith.constant 0 : index
    %get3A_24 = arith.constant 0 : index
    %get3A_25 = vector.load %arg4[%get3A_23, %get3A_24] : memref<128x128xf32, #tpu.memory_space<vmem>>, vector<128x128xf32>
    %dot_general3A = arith.constant dense<0.000000e+00> : vector<2000x128xf32>
    %dot_general3A_26 = tpu.matmul %max3A_22, %get3A_25, %dot_general3A {dimension_numbers = #tpu.dot_dimension_numbers<[1], [0], [0], [1], [0, 0, 1, 1], [], []>, transpose_lhs_hint = false} : vector<2000x128xf32>, vector<128x128xf32>, vector<2000x128xf32> -> vector<2000x128xf32>
    %mul3A_27 = vector.broadcast %rsqrt3A : vector<2000x1xf32> to vector<2000x128xf32>
    %mul3A_28 = arith.mulf %dot_general3A_26, %mul3A_27 : vector<2000x128xf32>
    %swap3A = arith.constant 0 : index
    %swap3A_29 = arith.constant 0 : index
    %swap3A_30 = vector.load %arg6[%swap3A, %swap3A_29] : memref<2000x128xf32, #tpu.memory_space<vmem>>, vector<2000x128xf32>
    tpu.vector_store %arg6[%swap3A, %swap3A_29], %mul3A_28 {strides = array<i32>} : memref<2000x128xf32, #tpu.memory_space<vmem>>, vector<2000x128xf32>,
    return
  }
  func.func @transform_0(%arg0: i32) -> (i32, i32, i32) {
    %c0_i32 = arith.constant 0 : i32
    %c0_i32_0 = arith.constant 0 : i32
    %c0_i32_1 = arith.constant 0 : i32
    return %c0_i32, %arg0, %c0_i32_0 : i32, i32, i32
  }
  func.func @transform_1(%arg0: i32) -> (i32, i32, i32) {
    %c1_i32 = arith.constant 1 : i32
    %c0_i32 = arith.constant 0 : i32
    %c0_i32_0 = arith.constant 0 : i32
    return %c1_i32, %arg0, %c0_i32 : i32, i32, i32
  }
  func.func @transform_2(%arg0: i32) -> (i32, i32) {
    %c0_i32 = arith.constant 0 : i32
    %c0_i32_0 = arith.constant 0 : i32
    return %arg0, %c0_i32 : i32, i32
  }
  func.func @transform_3(%arg0: i32) -> (i32, i32) {
    %c0_i32 = arith.constant 0 : i32
    %c0_i32_0 = arith.constant 0 : i32
    %c0_i32_1 = arith.constant 0 : i32
    return %c0_i32, %c0_i32_0 : i32, i32
  }
  func.func @transform_4(%arg0: i32) -> (i32, i32) {
    %c0_i32 = arith.constant 0 : i32
    %c0_i32_0 = arith.constant 0 : i32
    %c0_i32_1 = arith.constant 0 : i32
    return %c0_i32, %c0_i32_0 : i32, i32
  }
  func.func @transform_5(%arg0: i32) -> (i32, i32) {
    %c0_i32 = arith.constant 0 : i32
    %c0_i32_0 = arith.constant 0 : i32
    return %arg0, %c0_i32 : i32, i32
  }
}

module attributes {stable_mosaic.version = 14 : i64} {
  func.func @_tc_fin_body(%arg0: i32, %arg1: memref<1x2000x128xf32, #tpu.memory_space<vmem>>, %arg2: memref<1x2000x128xf32, #tpu.memory_space<vmem>>, %arg3: memref<2000x1xf32, #tpu.memory_space<vmem>>, %arg4: memref<1x128xf32, #tpu.memory_space<vmem>>, %arg5: memref<2000x128xf32, #tpu.memory_space<vmem>>) attributes {dimension_semantics = [#tpu.dimension_semantics<arbitrary>], iteration_bounds = array<i64: 5>, scalar_prefetch = 0 : i64, scratch_operands = 0 : i64, tpu.core_type = #tpu.core_type<tc>, window_params = [{transform_indices = @transform_0, window_bounds = array<i64: 1, 2000, 128>}, {transform_indices = @transform_1, window_bounds = array<i64: 1, 2000, 128>}, {transform_indices = @transform_2, window_bounds = array<i64: 2000, 1>}, {pipeline_mode = #tpu.pipeline_mode<synchronous>, transform_indices = @transform_3, window_bounds = array<i64: 1, 128>}, {transform_indices = @transform_4, window_bounds = array<i64: 2000, 128>}]} {
    %get3A = arith.constant 0 : index
    %get3A_0 = arith.constant 0 : index
    %get3A_1 = vector.load %arg3[%get3A, %get3A_0] : memref<2000x1xf32, #tpu.memory_space<vmem>>, vector<2000x1xf32>
    %add3A = arith.constant 1.000000e+00 : f32
    %add3A_2 = vector.broadcast %add3A : f32 to vector<2000x1xf32>
    %add3A_3 = arith.addf %get3A_1, %add3A_2 : vector<2000x1xf32>
    %rsqrt3A = math.rsqrt %add3A_3 : vector<2000x1xf32>
    %get3A_4 = arith.constant 0 : index
    %get3A_5 = arith.constant 0 : index
    %get3A_6 = arith.constant 0 : index
    %get3A_7 = vector.load %arg1[%get3A_4, %get3A_5, %get3A_6] : memref<1x2000x128xf32, #tpu.memory_space<vmem>>, vector<1x2000x128xf32>
    %get3A_8 = vector.shape_cast %get3A_7 : vector<1x2000x128xf32> to vector<2000x128xf32>
    %get3A_9 = arith.constant 0 : index
    %get3A_10 = arith.constant 0 : index
    %get3A_11 = arith.constant 0 : index
    %get3A_12 = vector.load %arg2[%get3A_9, %get3A_10, %get3A_11] : memref<1x2000x128xf32, #tpu.memory_space<vmem>>, vector<1x2000x128xf32>
    %get3A_13 = vector.shape_cast %get3A_12 : vector<1x2000x128xf32> to vector<2000x128xf32>
    %add3A_14 = arith.addf %get3A_8, %get3A_13 : vector<2000x128xf32>
    %mul3A = vector.broadcast %rsqrt3A : vector<2000x1xf32> to vector<2000x128xf32>
    %mul3A_15 = arith.mulf %add3A_14, %mul3A : vector<2000x128xf32>
    %get3A_16 = arith.constant 0 : index
    %get3A_17 = arith.constant 0 : index
    %get3A_18 = vector.load %arg4[%get3A_16, %get3A_17] : memref<1x128xf32, #tpu.memory_space<vmem>>, vector<1x128xf32>
    %add3A_19 = vector.broadcast %get3A_18 : vector<1x128xf32> to vector<2000x128xf32>
    %add3A_20 = arith.addf %mul3A_15, %add3A_19 : vector<2000x128xf32>
    %swap3A = arith.constant 0 : index
    %swap3A_21 = arith.constant 0 : index
    %swap3A_22 = vector.load %arg5[%swap3A, %swap3A_21] : memref<2000x128xf32, #tpu.memory_space<vmem>>, vector<2000x128xf32>
    tpu.vector_store %arg5[%swap3A, %swap3A_21], %add3A_20 {strides = array<i32>} : memref<2000x128xf32, #tpu.memory_space<vmem>>, vector<2000x128xf32>,
    return
  }
  func.func @transform_0(%arg0: i32) -> (i32, i32, i32) {
    %c0_i32 = arith.constant 0 : i32
    %c0_i32_0 = arith.constant 0 : i32
    %c0_i32_1 = arith.constant 0 : i32
    return %c0_i32, %arg0, %c0_i32_0 : i32, i32, i32
  }
  func.func @transform_1(%arg0: i32) -> (i32, i32, i32) {
    %c1_i32 = arith.constant 1 : i32
    %c0_i32 = arith.constant 0 : i32
    %c0_i32_0 = arith.constant 0 : i32
    return %c1_i32, %arg0, %c0_i32 : i32, i32, i32
  }
  func.func @transform_2(%arg0: i32) -> (i32, i32) {
    %c0_i32 = arith.constant 0 : i32
    %c0_i32_0 = arith.constant 0 : i32
    return %arg0, %c0_i32 : i32, i32
  }
  func.func @transform_3(%arg0: i32) -> (i32, i32) {
    %c0_i32 = arith.constant 0 : i32
    %c0_i32_0 = arith.constant 0 : i32
    %c0_i32_1 = arith.constant 0 : i32
    return %c0_i32, %c0_i32_0 : i32, i32
  }
  func.func @transform_4(%arg0: i32) -> (i32, i32) {
    %c0_i32 = arith.constant 0 : i32
    %c0_i32_0 = arith.constant 0 : i32
    return %arg0, %c0_i32 : i32, i32
  }
}

</mosaic_0001>

<sc_bundles>
// kernel: kernel.12.cloned.1.call-start
scs
__scs_entry_jumppad:
0x0: {  	(pc) =	sbr.rel $0x88, $3  }
0x1: {  	(tag) =	ssettag $0x0;
	lr =	simm.s32 $0x1  }
0x2: {  	[smem:$0x3F9B] =	sst lr;
	_ =	strace $0xD0000000  }
0x3: {  	_ = 	snop  }
0x4: {  	_ = 	snop  }
0x5: {  	_ = 	snop  }
0x6: {  	_ = 	snop  }
0x7: {  	_ = 	snop  }
__scs_overlays_trampoline_lowered:
0x8: {  	[smem:$0x3FAA] =	sst s0  }
0x9: {  	[smem:$0x3FAB] =	sst s1  }
0xa: {  	[smem:$0x3FAC] =	sst s2  }
0xb: {  	[smem:$0x3FAD] =	sst s3  }
0xc: {  	[smem:$0x3FAE] =	sst s4  }
0xd: {  	[smem:$0x3FAF] =	sst s5  }
0xe: {  	[smem:$0x3FB0] =	sst s6  }
0xf: {  	[smem:$0x3FB1] =	sst s7  }
0x10: {  	[smem:$0x3FB2] =	sst s8  }
0x11: {  	[smem:$0x3FB3] =	sst s9;
	s0 =	simm.s32 @!p0 $0x0  }
0x12: {  	s1 =	sld [smem:$0x3F99];
	s0 =	simm.s32 @p0 $0x1  }
0x13: {  	[smem:$0x3FB4] =	sst s0;
	s0 =	simm.s32 @!p1 $0x0  }
0x14: {  	s2 =	sld [smem:$0x3F98];
	s0 =	simm.s32 @p1 $0x1  }
0x15: {  	[smem:$0x3FB5] =	sst s0;
	s0 =	simm.s32 @!p2 $0x0  }
0x16: {  	s3 =	sld [smem:$0x3FDB];
	s0 =	simm.s32 @p2 $0x1  }
0x17: {  	s4 =	simm.s32 $0x1BF5;
	[smem:$0x3FB7] =	sst s0  }
0x18: {  	s0 =	sld [smem:$0x3F9A];
	_ =	swait.ge [sflag:s4], $0x0  }
0x19: {  	s7 =	sld [smem:$0x3F9B]  }
0x1a: {  	s8 =	sadd.s32 $0xFFFFE003, lr  }
0x1b: {  	s9 =	sadd.s32 $0xFFFFFEF7, lr;
	s5 =	simm.s32 $0xFFFFFFFF;
	p2 =	slt.u32 s8, $0xFFFFF086  }
0x1c: {  	p1 =	slt.u32 s9, $0xF7A;
	s5 =	simm.s32 @!p2 $0x0  }
0x1d: {  	s5 =	simm.s32 @p1 $0x1;
	p0 =	seq.s32 s7, s2  }
0x1e: {  	s7 =	smul.u32 @!p0 $0xF7A, s2;
	p2 =	seq.s32 @!p0 s5, $0x0  }
0x1f: {  	s9 =	smul.u32 $0xF7A, s1;
	s8 =	simm.s32 @!p0 $0x1BF5;
	p2 =	por !p2, p0  }
0x20: {  	[sflag:s8] =	ssyncset.s32 @!p0 $0xFFFFF086;
	s6 =	sadd.s32 @!p0 s3, s7;
	s7 =	simm.s32 @!p0 $0x108  }
0x21: {  	s3 =	sadd.s32 s3, s9;
	s6 =	sadd.s32 @!p0 $0x88, s6;
	s7 =	simm.s32 @p2 $0x1082  }
0x22: {  	[simem:s7], [sflag:s8] =	dma.local @!p0 [hbm:s6], $0xF7A  }
0x23: {  	s9 =	sor.u32 $0xD0000000, s2;
	s6 =	simm.s32 $0x108;
	_ =	swait.ge @!p0 [sflag:s8], $0x0  }
0x24: {  	s3 =	sadd.s32 $0x88, s3;
	s6 =	simm.s32 @!p1 $0x1082;
	[sflag:s4] =	ssyncset.s32 $0xFFFFF086  }
0x25: {  	[simem:s6], [sflag:s4] =	dma.local [hbm:s3], $0xF7A  }
0x26: {  	[smem:$0x3F9B] =	sst s1;
	(tag) =	ssettag s2;
	_ =	strace s9  }
0x27: {  	s1 =	sld [smem:$0x3FAB]  }
0x28: {  	s2 =	sld [smem:$0x3FAC]  }
0x29: {  	s4 =	sld [smem:$0x3FAE]  }
0x2a: {  	p0 =	seq.s32 s5, $0x0;
	s5 =	sld [smem:$0x3FAF]  }
0x2b: {  	s6 =	sld [smem:$0x3FB0]  }
0x2c: {  	s7 =	sld [smem:$0x3FB1]  }
0x2d: {  	s3 =	simm.s32 $0x108;
	s8 =	sld [smem:$0x3FB2]  }
0x2e: {  	s3 =	simm.s32 @!p0 $0x1082;
	s9 =	sld [smem:$0x3FB3]  }
0x2f: {  	lr =	sadd.s32 s0, s3;
	s0 =	sld [smem:$0x3FAA]  }
0x30: {  	s3 =	sld [smem:$0x3FAD]  }
0x31: {  	[smem:$0x3FB6] =	sst s10  }
0x32: {  	s10 =	sld [smem:$0x3FB4];
	_ =	sdelay $0x3  }
0x33: {  	p0 =	seq.s32 s10, $0x1;
	s10 =	sld [smem:$0x3FB6];
	_ =	sdelay $0x3  }
0x34: {  	[smem:$0x3FB6] =	sst s10  }
0x35: {  	s10 =	sld [smem:$0x3FB5];
	_ =	sdelay $0x3  }
0x36: {  	p1 =	seq.s32 s10, $0x1;
	s10 =	sld [smem:$0x3FB6];
	_ =	sdelay $0x3  }
0x37: {  	[smem:$0x3FB6] =	sst s10  }
0x38: {  	s10 =	sld [smem:$0x3FB7]  }
0x39: {  	_ = 	snop;
	(pc) =	sbr.ind lr, $3  }
0x3a: {  	_ = 	snop  }
0x3b: {  	_ = 	snop  }
0x3c: {  	p2 =	seq.s32 s10, $0x1;
	s10 =	sld [smem:$0x3FB6]  }
0x3d: {  	_ =	shalt  }
0x3e: {  	_ =	shalt  }
0x3f: {  	_ =	shalt  }
0x40: {  	_ =	shalt  }
0x41: {  	_ =	shalt  }
0x42: {  	_ =	shalt  }
0x43: {  	_ =	shalt  }
0x44: {  	_ =	shalt  }
0x45: {  	_ =	shalt  }
0x46: {  	_ =	shalt  }
0x47: {  	_ =	shalt  }
0x48: {  	_ =	shalt  }
0x49: {  	_ =	shalt  }
0x4a: {  	_ =	shalt  }
0x4b: {  	_ =	shalt  }
0x4c: {  	_ =	shalt  }
0x4d: {  	_ =	shalt  }
0x4e: {  	_ =	shalt  }
0x4f: {  	_ =	shalt  }
0x50: {  	_ =	shalt  }
0x51: {  	_ =	shalt  }
0x52: {  	_ =	shalt  }
0x53: {  	_ =	shalt  }
0x54: {  	_ =	shalt  }
0x55: {  	_ =	shalt  }
0x56: {  	_ =	shalt  }
0x57: {  	_ =	shalt  }
0x58: {  	_ =	shalt  }
0x59: {  	_ =	shalt  }
0x5a: {  	_ =	shalt  }
0x5b: {  	_ =	shalt  }
0x5c: {  	_ =	shalt  }
0x5d: {  	_ =	shalt  }
0x5e: {  	_ =	shalt  }
0x5f: {  	_ =	shalt  }
0x60: {  	_ =	shalt  }
0x61: {  	_ =	shalt  }
0x62: {  	_ =	shalt  }
0x63: {  	_ =	shalt  }
0x64: {  	_ =	shalt  }
0x65: {  	_ =	shalt  }
0x66: {  	_ =	shalt  }
0x67: {  	_ =	shalt  }
0x68: {  	_ =	shalt  }
0x69: {  	_ =	shalt  }
0x6a: {  	_ =	shalt  }
0x6b: {  	_ =	shalt  }
0x6c: {  	_ =	shalt  }
0x6d: {  	_ =	shalt  }
0x6e: {  	_ =	shalt  }
0x6f: {  	_ =	shalt  }
0x70: {  	_ =	shalt  }
0x71: {  	_ =	shalt  }
0x72: {  	_ =	shalt  }
0x73: {  	_ =	shalt  }
0x74: {  	_ =	shalt  }
0x75: {  	_ =	shalt  }
0x76: {  	_ =	shalt  }
0x77: {  	_ =	shalt  }
0x78: {  	_ =	shalt  }
0x79: {  	_ =	shalt  }
0x7a: {  	_ =	shalt  }
0x7b: {  	_ =	shalt  }
0x7c: {  	_ =	shalt  }
0x7d: {  	_ =	shalt  }
0x7e: {  	_ =	shalt  }
0x7f: {  	_ =	shalt  }
0x80: {  	_ =	shalt  }
0x81: {  	_ =	shalt  }
0x82: {  	_ =	shalt  }
0x83: {  	_ =	shalt  }
0x84: {  	_ =	shalt  }
0x85: {  	_ =	shalt  }
0x86: {  	_ =	shalt  }
0x87: {  	_ =	shalt  }
.Lfunc_end0:
.L_simem_size_0:
called_computation.1_lowered:
.L_overlay_start_0:
0x88: {  	s2 =	sld [smem:$0x3FD9]  }
0x89: {  	s3 =	sld [smem:$0x3FFE];
	_ =	sdelay $0x1  }
0x8a: {  	s1 =	srdreg.scid  }
0x8b: {  	s0 =	sand.u32 $0x1, s1  }
0x8c: {  	s17 =	sshll.u32 s0, $0xA;
	s2 =	sadd.s32 s3, s2  }
0x8d: {  	s2 =	sadd.s32 s2, s17  }
0x8e: {  	[smem:$0x3FC2] =	sst s2  }
0x8f: {  	_ = 	snop  }
0x90: {  	s2 =	sld [smem:$0x3FD0];
	(tm) =	ssettm $0x1  }
0x91: {  	s18 =	sld [smem:$0x3FFB];
	_ =	sdelay $0x3  }
0x92: {  	_ =	strace s18  }
0x93: {  	s3 =	sld [smem:$0x3FFC];
	_ =	sdelay $0x3  }
0x94: {  	_ =	strace s3  }
0x95: {  	s3 =	sld [smem:$0x3FFD];
	_ =	sdelay $0x3  }
0x96: {  	_ =	strace s3  }
0x97: {  	_ =	strace $0x8FFFFFFF  }
0x98: {  	s19 =	sld [smem:$0x3FDB];
	_ =	sdelay $0x1  }
0x99: {  	s4 =	simm.s32 $_scs_section_size  }
0x9a: {  	s5 =	simm.s32 $_size__tile_overlayer_lowered;
	s6 =	simm.s32 $_tile_overlayer_lowered  }
0x9b: {  	s22 =	simm.s32 $0x1BFF;
	s21 =	sshll.u32 s6, $0x1;
	s3 =	sadd.s32 s4, s19  }
0x9c: {  	s7 =	simm.s32 $0x0;
	s20 =	sshll.u32 s5, $0x1;
	s5 =	sadd.s32 s21, s3  }
0x9d: {  	[timem:s7], [sflag:s22] =	dma.local [hbm:s5], s20  }
0x9e: {  	_ =	swait.ge [sflag:s22], s20  }
0x9f: {  	s4 =	ssub.s32 $0x0, s20;
	[sflag:s22] =	ssyncset.done $0x0  }
0xa0: {  	[sflag:s22] =	ssyncadd.s32 s4;
	_ =	sdelay $0x1  }
0xa1: {  	s23 =	simm.s32 $0x1B8B  }
0xa2: {  	_ =	swait.ge [sflag:s23], $0x1  }
0xa3: {  	[sflag:s23] =	ssyncset.done $0x0  }
0xa4: {  	s25 =	simm.s32 $0x1B8E;
	s24 =	sld [smem:$0x3FFE];
	[sflag:s23] =	ssyncadd.s32 $0xFFFFFFFF  }
0xa5: {  	s26 =	simm.s32 $execute0_lowered;
	[smem:$0x3FD2] =	sst s25  }
0xa6: {  	s5 =	sshll.u32 s26, $0x1;
	_ =	strace $0x80000049;
	[dreg:$0x1] =	wrdreg $0xFFFFFFFF  }
0xa7: {  	s28 =	simm.s32 $_size_execute0_lowered;
	s3 =	sadd.s32 s3, s5;
	[dreg:$0x0] =	wrdreg $0x0  }
0xa8: {  	s5 =	sshll.u32 s28, $0x1;
	[dreg:$0x2] =	wrdreg s3  }
0xa9: {  	[dreg:$0x3] =	wrdreg s5  }
0xaa: {  	[dreg:$0x4] =	wrdreg $0xC0  }
0xab: {  	_ =	task [dreg:s7], $0x5FFFF  }
0xac: {  	[dreg:$0x1] =	wrdreg $0xFFFFFFFF  }
0xad: {  	[dreg:$0x0] =	wrdreg $0x60  }
0xae: {  	[dreg:$0x2] =	wrdreg s24  }
0xaf: {  	[dreg:$0x3] =	wrdreg s2  }
0xb0: {  	[dreg:$0x4] =	wrdreg $0xA8000  }
0xb1: {  	[dreg:$0x5] =	wrdreg $0x9  }
0xb2: {  	_ =	task.clear_ibuf [dreg:s7], $0x6FFFF;
	_ =	strace $0x90000049  }
0xb3: {  	s29 =	simm.s32 $0x9;
	_ =	strace $0x8000004B  }
0xb4: {  	_ =	swait.ge [sflag:s29], $0x1  }
0xb5: {  	[sflag:s29] =	ssyncadd.s32 $0xFFFFFFFF  }
0xb6: {  	_ =	strace $0x9000004B  }
0xb7: {  	_ =	sfence  }
0xb8: {  	s30 =	sld [smem:$0x0];
	_ =	sdelay $0x2  }
0xb9: {  	s31 =	sshll.u32 s1, $0xD;
	s1 =	sshrl.u32 s1, $0x2  }
0xba: {  	s3 =	sand.u32 $0x4000, s31;
	s1 =	sadd.s32 s1, s30  }
0xbb: {  	s0 =	sor.u32 s3, s0;
	s1 =	sshll.u32 s1, $0x11  }
0xbc: {  	s0 =	sor.u32 s1, s0  }
0xbd: {  	s0 =	sadd.s32 $0x8F2B, s0  }
0xbe: {  	[sflag:s0] =	ssyncadd.remote.s32 $0x1  }
0xbf: {  	_ =	sfence.sel $0xFFFF  }
0xc0: {  	[dreg:$0x0] =	wrdreg $0xFFFFFFFF;
	(pc) =	sbr.abs _section_cstart, $3  }
0xc1: {  	[dreg:$0x1] =	wrdreg $0xFFFFFFFF  }
0xc2: {  	_ =	task.clear_ibuf [dreg:s7], $0x2FFFF;
	_ =	strace $0x9FFFFFFF  }
0xc3: {  	(tm) =	ssettm $0x7FFFFFFF  }
tec
execute0_lowered:
.L_overlay_start_1:
0x0: {  	(tag) =	ssettag $0x1  }
0x1: {  	s5 =	rddreg [dreg:$0x0]  }
0x2: {  	s1 =	rddreg [dreg:$0x1]  }
0x3: {  	s2 =	rddreg [dreg:$0x2];
	s3 =	srdreg.scid  }
0x4: {  	s0 =	rddreg [dreg:$0x3];
	s4 =	simm.s32 $0x0;
	s16 =	simm.s32 $0x2800  }
0x5: {  	s17 =	simm.s32 $0x2;
	s18 =	simm.s32 $0x2780;
	s19 =	simm.s32 $0x6800  }
0x6: {  	s20 =	simm.s32 $0x0;
	s6 =	sand.u32 $0x1, s3;
	s3 =	stileid.u32  }
0x7: {  	[smem:$0x7FF] =	sst s4;
	s9 =	sadd.s32 $0x2400, s5;
	s7 =	smul.u32 $0x138800, s6  }
0x8: {  	s10 =	sadd.s32 $0x16400, s5;
	s15 =	smov.u32 s1;
	s8 =	smul.u32 $0x1F400, s3  }
0x9: {  	_ =	strace $0x8000004A;
	s24 =	sshll.u32 s6, $0x5;
	s11 =	sshll.u32 s3, $0x1  }
0xa: {  	s12 =	ssub.s32 $0x2, s6;
	s13 =	smul.u32 $0x7D000, s3;
	p0 =	seq.s32 s6, $0x1  }
0xb: {  	s14 =	smul.u32 $0x3E80, s3;
	s26 =	sshrl.u32 s12, $0x1;
	s15 =	smov.u32 @p0 s10  }
0xc: {  	p0 =	sgt.u32 s3, $0x9;
	s7 =	sadd.s32 s8, s7;
	s8 =	sor.u32 s11, s24  }
0xd: {  	s12 =	ssub.s32 s12, s26;
	s29 =	sshrl.u32 s13, $0x2;
	s11 =	sadd.s32 s15, s14  }
0xe: {  	s14 =	simm.s32 $0x3;
	s15 =	simm.s32 $0x7D;
	s28 =	smul.u32 $0x1400, s8  }
0xf: {  	s7 =	sshrl.u32 s7, $0x3;
	s8 =	smul.u32 $0x280, s8;
	s13 =	sadd.s32 s29, s2  }
0x10: {  	s10 =	smax.u32 s12, $0x1;
	s12 =	sshll.u32 @!p0 s3, $0x6;
	s25 =	sadd.s32 s7, s5  }
0x11: {  	s12 =	sor.u32 @!p0 $0x1C03, s12;
	s13 =	sshrl.u32 @!p0 s13, $0x3;
	s30 =	sshrl.u32 s28, $0x3  }
0x12: {  	s5 =	sadd.s32 s9, s8;
	s31 =	sadd.s32 s9, s30;
	s9 =	sadd.s32 $0x3D600, s25  }
0x13: {  	s6 =	sadd.s32 $0xA000, s31;
	s7 =	sadd.s32 $0x280, s31;
	s8 =	sadd.s32 $0xA280, s31  }
.LBB2_1:
0x14: {  	[spmem:s13], [sflag:s12] =	dma.local @!p0 [hbm:s11], $0x3E80  }
0x15: {  	s21 =	simm.s32 @!p0 $0x3  }
0x16: {  	_ =	swait.ge @!p0 [sflag:s21], $0x3E80  }
0x17: {  	[sflag:s21] =	ssyncset.done @!p0 $0x0  }
0x18: {  	[sflag:s21] =	ssyncadd.s32 @!p0 $0xFFFFC180  }
0x19: {  	[bflag:$0x0] =	sbarrier.arrive $0xFFFF  }
0x1a: {  	[tilespmem:s4], [sflag:$0x3] =	stream.linear.gather [hbm4b:s5+s4], $0x1400, $0x38;
	[tilespmem:$0x1E080] =	vst v63  }
0x1b: {  	_ =	swait.ge [sflag:s14], $0x1400  }
0x1c: {  	[sflag:s14] =	ssyncset.done $0x0  }
0x1d: {  	s21 =	simm.s32 $0x1400;
	[sflag:s14] =	ssyncadd.s32 $0xFFFFEC00  }
0x1e: {  	[tilespmem:s21], [sflag:$0x3] =	stream.linear.gather [hbm4b:s6+s4], $0x1400, $0x38;
	[tilespmem:$0x1E080] =	vst v63  }
0x1f: {  	_ =	swait.ge [sflag:s14], $0x1400  }
0x20: {  	s22 =	sand.u32 $0x1, s4;
	[sflag:s14] =	ssyncset.done $0x0  }
0x21: {  	s23 =	simm.s32 $0x80;
	p1 =	seq.s32 s22, $0x1;
	[sflag:s14] =	ssyncadd.s32 $0xFFFFEC00  }
0x22: {  	[tilespmem:s16], [sflag:$0x1] =	stream.indirect.gather [hbm4b:s1+s15], $0x80, s4, s15, $0xb8;
	[tilespmem:$0x1E080] =	vst v63  }
0x23: {  	s22 =	simm.s32 @p1 $0x7D;
	s24 =	simm.s32 @p1 $0x2800;
	s25 =	simm.s32 @p1 $0x2  }
0x24: {  	[tilespmem:s24], [sflag:$0x1] =	stream.indirect.gather @p1 [hbm4b:s1+s22], $0x80, s23, s22, $0xb8;
	[tilespmem:$0x1E080] =	vst v63  }
0x25: {  	_ =	swait.ge @p1 [sflag:s25], $0x3E80  }
0x26: {  	[sflag:s25] =	ssyncset.done @p1 $0x0  }
0x27: {  	s24 =	simm.s32 @p1 $0x6800;
	[sflag:s25] =	ssyncadd.s32 @p1 $0xFFFFC180  }
0x28: {  	[spmem:s2] =	stream.indirect.scatter.add.f32 @p1 [tilespmem:s24], [sflag:$0x3], $0x80, s21, s22, $0xb8;
	[tilespmem:$0x1E080] =	vst v63  }
0x29: {  	s25 =	simm.s32 @!p1 $0x1;
	s22 =	simm.s32 @!p1 $0x7D;
	s24 =	simm.s32 @!p1 $0x6800  }
0x2a: {  	[tilespmem:s24], [sflag:$0x2] =	stream.indirect.gather @!p1 [hbm4b:s1+s22], $0x80, s23, s22, $0xb8;
	[tilespmem:$0x1E080] =	vst v63  }
0x2b: {  	_ =	swait.ge @!p1 [sflag:s25], $0x3E80  }
0x2c: {  	s26 =	simm.s32 $0x1;
	s24 =	simm.s32 @!p1 $0x4;
	[sflag:s25] =	ssyncset.done @!p1 $0x0  }
0x2d: {  	s23 =	simm.s32 @!p1 $0x2800;
	s24 =	simm.s32 @p1 $0x3;
	[sflag:s25] =	ssyncadd.s32 @!p1 $0xFFFFC180  }
0x2e: {  	[spmem:s2] =	stream.indirect.scatter.add.f32 @!p1 [tilespmem:s23], [sflag:$0x4], $0x80, s21, s22, $0xb8;
	[tilespmem:$0x1E080] =	vst v63  }
0x2f: {  	s25 =	sand.u32 $0x1, s26;
	s23 =	simm.s32 $0x2;
	_ =	swait.ge [sflag:s24], $0x3E80  }
0x30: {  	s22 =	simm.s32 $0x100;
	s21 =	simm.s32 $0x1480;
	[sflag:s24] =	ssyncset.done $0x0  }
.LBB2_2:
0x31: {  	p1 =	seq.s32 s25, $0x1  }
0x32: {  	[sflag:s24] =	ssyncadd.s32 $0xFFFFC180;
	s25 =	smov.u32 s23;
	s23 =	sadd.s32 $0x1, s23  }
0x33: {  	s26 =	simm.s32 @p1 $0x7D;
	s24 =	simm.s32 @p1 $0x2800;
	s28 =	simm.s32 @p1 $0x2  }
0x34: {  	[tilespmem:s24], [sflag:$0x1] =	stream.indirect.gather @p1 [hbm4b:s1+s26], $0x80, s22, s26, $0xb8;
	[tilespmem:$0x1E080] =	vst v63  }
0x35: {  	p2 =	sne.s32 s23, $0x27;
	s24 =	simm.s32 @!p1 $0x4;
	_ =	swait.ge @p1 [sflag:s28], $0x3E80  }
0x36: {  	[sflag:s28] =	ssyncset.done @p1 $0x0  }
0x37: {  	[sflag:s28] =	ssyncadd.s32 @p1 $0xFFFFC180;
	s28 =	simm.s32 @p1 $0x6800  }
0x38: {  	[spmem:s2] =	stream.indirect.scatter.add.f32 @p1 [tilespmem:s28], [sflag:$0x3], $0x80, s21, s26, $0xb8;
	[tilespmem:$0x1E080] =	vst v63  }
0x39: {  	s29 =	simm.s32 @!p1 $0x1;
	s26 =	simm.s32 @!p1 $0x7D;
	s28 =	simm.s32 @!p1 $0x6800  }
0x3a: {  	[tilespmem:s28], [sflag:$0x2] =	stream.indirect.gather @!p1 [hbm4b:s1+s26], $0x80, s22, s26, $0xb8;
	[tilespmem:$0x1E080] =	vst v63  }
0x3b: {  	_ =	swait.ge @!p1 [sflag:s29], $0x3E80  }
.Ltmp0:
0x3c: {  	[sflag:s29] =	ssyncset.done @!p1 $0x0;
	(pc) =	sbr.rel @p2 .LBB2_2-.Ltmp0, $4  }
0x3d: {  	s24 =	simm.s32 @p1 $0x3;
	s28 =	simm.s32 @!p1 $0x2800;
	[sflag:s29] =	ssyncadd.s32 @!p1 $0xFFFFC180  }
0x3e: {  	[spmem:s2] =	stream.indirect.scatter.add.f32 @!p1 [tilespmem:s28], [sflag:$0x4], $0x80, s21, s26, $0xb8;
	[tilespmem:$0x1E080] =	vst v63  }
0x3f: {  	s22 =	sadd.s32 $0x80, s22;
	_ =	swait.ge [sflag:s24], $0x3E80  }
0x40: {  	s25 =	sand.u32 $0x1, s25;
	s21 =	sadd.s32 $0x80, s21;
	[sflag:s24] =	ssyncset.done $0x0  }
0x41: {  	p1 =	seq.s32 s25, $0x1;
	[sflag:s24] =	ssyncadd.s32 $0xFFFFC180  }
0x42: {  	s23 =	simm.s32 @p1 $0x7D;
	s24 =	simm.s32 @p1 $0x2800;
	s25 =	simm.s32 @p1 $0x2  }
0x43: {  	[tilespmem:s24], [sflag:$0x1] =	stream.indirect.gather @p1 [hbm4b:s1+s23], $0x80, s22, s23, $0xb8;
	[tilespmem:$0x1E080] =	vst v63  }
0x44: {  	_ =	swait.ge @p1 [sflag:s25], $0x3E80  }
0x45: {  	[sflag:s25] =	ssyncset.done @p1 $0x0  }
0x46: {  	s24 =	simm.s32 @p1 $0x6800;
	[sflag:s25] =	ssyncadd.s32 @p1 $0xFFFFC180  }
0x47: {  	[spmem:s2] =	stream.indirect.scatter.add.f32 @p1 [tilespmem:s24], [sflag:$0x3], $0x80, s21, s23, $0xb8;
	[tilespmem:$0x1E080] =	vst v63  }
0x48: {  	s25 =	simm.s32 @!p1 $0x1;
	s23 =	simm.s32 @!p1 $0x7D;
	s24 =	simm.s32 @!p1 $0x6800  }
0x49: {  	[tilespmem:s24], [sflag:$0x2] =	stream.indirect.gather @!p1 [hbm4b:s1+s23], $0x80, s22, s23, $0xb8;
	[tilespmem:$0x1E080] =	vst v63  }
0x4a: {  	_ =	swait.ge @!p1 [sflag:s25], $0x3E80  }
0x4b: {  	s22 =	simm.s32 @!p1 $0x4;
	[sflag:s25] =	ssyncset.done @!p1 $0x0  }
0x4c: {  	s24 =	simm.s32 @!p1 $0x2800;
	s22 =	simm.s32 @p1 $0x3;
	[sflag:s25] =	ssyncadd.s32 @!p1 $0xFFFFC180  }
0x4d: {  	[spmem:s2] =	stream.indirect.scatter.add.f32 @!p1 [tilespmem:s24], [sflag:$0x4], $0x80, s21, s23, $0xb8;
	[tilespmem:$0x1E080] =	vst v63  }
0x4e: {  	_ =	swait.ge [sflag:s22], $0x3E80  }
0x4f: {  	[sflag:s22] =	ssyncset.done $0x0  }
0x50: {  	[sflag:s22] =	ssyncadd.s32 $0xFFFFC180  }
0x51: {  	_ =	swait.ge [sflag:s17], $0x3E80  }
0x52: {  	[sflag:s17] =	ssyncset.done $0x0  }
0x53: {  	[sflag:s17] =	ssyncadd.s32 $0xFFFFC180  }
0x54: {  	[spmem:s2] =	stream.indirect.scatter.add.f32 [tilespmem:s19], [sflag:$0x3], $0x80, s18, s15, $0xb8;
	[tilespmem:$0x1E080] =	vst v63  }
0x55: {  	_ =	swait.ge [sflag:s14], $0x3E80  }
0x56: {  	[sflag:s14] =	ssyncset.done $0x0  }
0x57: {  	s31 =	simm.s32 $0x0;
	[sflag:s14] =	ssyncadd.s32 $0xFFFFC180  }
0x58: {  	[tilespmem:s31], [sflag:$0x3] =	stream.linear.gather [hbm4b:s7+s31], $0x1400, $0x38;
	[tilespmem:$0x1E080] =	vst v63  }
0x59: {  	_ =	swait.ge [sflag:s14], $0x1400  }
0x5a: {  	[sflag:s14] =	ssyncset.done $0x0  }
0x5b: {  	s22 =	simm.s32 $0x1400;
	[sflag:s14] =	ssyncadd.s32 $0xFFFFEC00  }
0x5c: {  	[tilespmem:s22], [sflag:$0x3] =	stream.linear.gather [hbm4b:s8+s31], $0x1400, $0x38;
	[tilespmem:$0x1E080] =	vst v63  }
0x5d: {  	_ =	swait.ge [sflag:s14], $0x1400  }
0x5e: {  	s21 =	sand.u32 $0x1, s31;
	[sflag:s14] =	ssyncset.done $0x0  }
0x5f: {  	s23 =	simm.s32 $0x80;
	p1 =	seq.s32 s21, $0x1;
	[sflag:s14] =	ssyncadd.s32 $0xFFFFEC00  }
0x60: {  	[tilespmem:s16], [sflag:$0x1] =	stream.indirect.gather [hbm4b:s1+s15], $0x80, s31, s15, $0xb8;
	[tilespmem:$0x1E080] =	vst v63  }
0x61: {  	s21 =	simm.s32 @p1 $0x7D;
	s24 =	simm.s32 @p1 $0x2800;
	s25 =	simm.s32 @p1 $0x2  }
0x62: {  	[tilespmem:s24], [sflag:$0x1] =	stream.indirect.gather @p1 [hbm4b:s1+s21], $0x80, s23, s21, $0xb8;
	[tilespmem:$0x1E080] =	vst v63  }
0x63: {  	_ =	swait.ge @p1 [sflag:s25], $0x3E80  }
0x64: {  	[sflag:s25] =	ssyncset.done @p1 $0x0  }
0x65: {  	s24 =	simm.s32 @p1 $0x6800;
	[sflag:s25] =	ssyncadd.s32 @p1 $0xFFFFC180  }
0x66: {  	[spmem:s2] =	stream.indirect.scatter.add.f32 @p1 [tilespmem:s24], [sflag:$0x3], $0x80, s22, s21, $0xb8;
	[tilespmem:$0x1E080] =	vst v63  }
0x67: {  	s25 =	simm.s32 @!p1 $0x1;
	s21 =	simm.s32 @!p1 $0x7D;
	s24 =	simm.s32 @!p1 $0x6800  }
0x68: {  	[tilespmem:s24], [sflag:$0x2] =	stream.indirect.gather @!p1 [hbm4b:s1+s21], $0x80, s23, s21, $0xb8;
	[tilespmem:$0x1E080] =	vst v63  }
0x69: {  	_ =	swait.ge @!p1 [sflag:s25], $0x3E80  }
0x6a: {  	s26 =	simm.s32 $0x1;
	s24 =	simm.s32 @!p1 $0x4;
	[sflag:s25] =	ssyncset.done @!p1 $0x0  }
0x6b: {  	s23 =	simm.s32 @!p1 $0x2800;
	s24 =	simm.s32 @p1 $0x3;
	[sflag:s25] =	ssyncadd.s32 @!p1 $0xFFFFC180  }
0x6c: {  	[spmem:s2] =	stream.indirect.scatter.add.f32 @!p1 [tilespmem:s23], [sflag:$0x4], $0x80, s22, s21, $0xb8;
	[tilespmem:$0x1E080] =	vst v63  }
0x6d: {  	s25 =	sand.u32 $0x1, s26;
	s23 =	simm.s32 $0x2;
	_ =	swait.ge [sflag:s24], $0x3E80  }
0x6e: {  	s22 =	simm.s32 $0x100;
	s21 =	simm.s32 $0x1480;
	[sflag:s24] =	ssyncset.done $0x0  }
.LBB2_4:
0x6f: {  	p1 =	seq.s32 s25, $0x1  }
0x70: {  	[sflag:s24] =	ssyncadd.s32 $0xFFFFC180;
	s25 =	smov.u32 s23;
	s23 =	sadd.s32 $0x1, s23  }
0x71: {  	s26 =	simm.s32 @p1 $0x7D;
	s24 =	simm.s32 @p1 $0x2800;
	s28 =	simm.s32 @p1 $0x2  }
0x72: {  	[tilespmem:s24], [sflag:$0x1] =	stream.indirect.gather @p1 [hbm4b:s1+s26], $0x80, s22, s26, $0xb8;
	[tilespmem:$0x1E080] =	vst v63  }
0x73: {  	p2 =	sne.s32 s23, $0x27;
	s24 =	simm.s32 @!p1 $0x4;
	_ =	swait.ge @p1 [sflag:s28], $0x3E80  }
0x74: {  	[sflag:s28] =	ssyncset.done @p1 $0x0  }
0x75: {  	[sflag:s28] =	ssyncadd.s32 @p1 $0xFFFFC180;
	s28 =	simm.s32 @p1 $0x6800  }
0x76: {  	[spmem:s2] =	stream.indirect.scatter.add.f32 @p1 [tilespmem:s28], [sflag:$0x3], $0x80, s21, s26, $0xb8;
	[tilespmem:$0x1E080] =	vst v63  }
0x77: {  	s29 =	simm.s32 @!p1 $0x1;
	s26 =	simm.s32 @!p1 $0x7D;
	s28 =	simm.s32 @!p1 $0x6800  }
0x78: {  	[tilespmem:s28], [sflag:$0x2] =	stream.indirect.gather @!p1 [hbm4b:s1+s26], $0x80, s22, s26, $0xb8;
	[tilespmem:$0x1E080] =	vst v63  }
0x79: {  	_ =	swait.ge @!p1 [sflag:s29], $0x3E80  }
.Ltmp1:
0x7a: {  	[sflag:s29] =	ssyncset.done @!p1 $0x0;
	(pc) =	sbr.rel @p2 .LBB2_4-.Ltmp1, $4  }
0x7b: {  	s24 =	simm.s32 @p1 $0x3;
	s28 =	simm.s32 @!p1 $0x2800;
	[sflag:s29] =	ssyncadd.s32 @!p1 $0xFFFFC180  }
0x7c: {  	[spmem:s2] =	stream.indirect.scatter.add.f32 @!p1 [tilespmem:s28], [sflag:$0x4], $0x80, s21, s26, $0xb8;
	[tilespmem:$0x1E080] =	vst v63  }
0x7d: {  	s22 =	sadd.s32 $0x80, s22;
	_ =	swait.ge [sflag:s24], $0x3E80  }
0x7e: {  	s25 =	sand.u32 $0x1, s25;
	s21 =	sadd.s32 $0x80, s21;
	[sflag:s24] =	ssyncset.done $0x0  }
0x7f: {  	p1 =	seq.s32 s25, $0x1;
	[sflag:s24] =	ssyncadd.s32 $0xFFFFC180  }
0x80: {  	s23 =	simm.s32 @p1 $0x7D;
	s24 =	simm.s32 @p1 $0x2800;
	s25 =	simm.s32 @p1 $0x2  }
0x81: {  	[tilespmem:s24], [sflag:$0x1] =	stream.indirect.gather @p1 [hbm4b:s1+s23], $0x80, s22, s23, $0xb8;
	[tilespmem:$0x1E080] =	vst v63  }
0x82: {  	_ =	swait.ge @p1 [sflag:s25], $0x3E80  }
0x83: {  	[sflag:s25] =	ssyncset.done @p1 $0x0  }
0x84: {  	s24 =	simm.s32 @p1 $0x6800;
	[sflag:s25] =	ssyncadd.s32 @p1 $0xFFFFC180  }
0x85: {  	[spmem:s2] =	stream.indirect.scatter.add.f32 @p1 [tilespmem:s24], [sflag:$0x3], $0x80, s21, s23, $0xb8;
	[tilespmem:$0x1E080] =	vst v63  }
0x86: {  	s25 =	simm.s32 @!p1 $0x1;
	s23 =	simm.s32 @!p1 $0x7D;
	s24 =	simm.s32 @!p1 $0x6800  }
0x87: {  	[tilespmem:s24], [sflag:$0x2] =	stream.indirect.gather @!p1 [hbm4b:s1+s23], $0x80, s22, s23, $0xb8;
	[tilespmem:$0x1E080] =	vst v63  }
0x88: {  	_ =	swait.ge @!p1 [sflag:s25], $0x3E80  }
0x89: {  	s22 =	simm.s32 @!p1 $0x4;
	[sflag:s25] =	ssyncset.done @!p1 $0x0  }
0x8a: {  	s24 =	simm.s32 @!p1 $0x2800;
	s22 =	simm.s32 @p1 $0x3;
	[sflag:s25] =	ssyncadd.s32 @!p1 $0xFFFFC180  }
0x8b: {  	[spmem:s2] =	stream.indirect.scatter.add.f32 @!p1 [tilespmem:s24], [sflag:$0x4], $0x80, s21, s23, $0xb8;
	[tilespmem:$0x1E080] =	vst v63  }
0x8c: {  	_ =	swait.ge [sflag:s22], $0x3E80  }
0x8d: {  	[sflag:s22] =	ssyncset.done $0x0  }
0x8e: {  	[sflag:s22] =	ssyncadd.s32 $0xFFFFC180  }
0x8f: {  	_ =	swait.ge [sflag:s17], $0x3E80  }
0x90: {  	[sflag:s17] =	ssyncset.done $0x0  }
0x91: {  	[sflag:s17] =	ssyncadd.s32 $0xFFFFC180  }
0x92: {  	[spmem:s2] =	stream.indirect.scatter.add.f32 [tilespmem:s19], [sflag:$0x3], $0x80, s18, s15, $0xb8;
	[tilespmem:$0x1E080] =	vst v63  }
0x93: {  	_ =	swait.ge [sflag:s14], $0x3E80  }
0x94: {  	s20 =	sadd.s32 $0x1, s20;
	[sflag:s14] =	ssyncset.done $0x0  }
0x95: {  	p1 =	sne.s32 s20, s10;
	[sflag:s14] =	ssyncadd.s32 $0xFFFFC180  }
.Ltmp2:
0x96: {  	s21 =	simm.s32 @!p0 $0x3;
	[bflag:$0x0] =	sbarrier.arrive $0xFFFF;
	(pc) =	sbr.rel @p1 .LBB2_1-.Ltmp2, $4  }
0x97: {  	[hbm:s9], [sflag:s12] =	dma.local @!p0 [spmem:s13], $0x3E80  }
0x98: {  	_ =	swait.ge @!p0 [sflag:s21], $0x3E80  }
0x99: {  	[sflag:s21] =	ssyncset.done @!p0 $0x0  }
0x9a: {  	[sflag:s21] =	ssyncadd.s32 @!p0 $0xFFFFC180  }
0x9b: {  	_ =	sfence.sel $0x180000  }
0x9c: {  	[bflag:$0x0] =	sbarrier.arrive $0xFFFF  }
0x9d: {  	p0 =	sne.s32 s3, $0x0;
	_ =	strace $0x9000004A  }
0x9e: {  	s0 =	sadd.s32 @!p0 $0x100000, s0;
	[bflag:$0x2] =	sbarrier.arrive $0xFFFF  }
0x9f: {  	[sflag:s0] =	ssyncadd.tile.s32 @!p0 $0x1;
	_ =	shalt  }
.Lfunc_end2:
_tile_overlayer_lowered:
.L_overlay_start_2:
0xa0: {  	(tag) =	ssettag $0x2  }
0xa1: {  	s0 =	rddreg [dreg:$0x0];
	s2 =	stileid.u32  }
0xa2: {  	s1 =	rddreg [dreg:$0x1];
	p0 =	sne.s32 s2, $0x0  }
0xa3: {  	s3 =	rddreg [dreg:$0x2];
	[bflag:$0x3] =	sbarrier.arrive $0xFFFF;
	s2 =	simm.s32 @!p0 $0x1C03  }
0xa4: {  	[timem:s3], [sflag:s2] =	dma.local @!p0 [hbm:s0], s1  }
0xa5: {  	s0 =	simm.s32 @!p0 $0x3  }
0xa6: {  	_ =	swait.ge @!p0 [sflag:s0], s1  }
0xa7: {  	s1 =	ssub.s32 @!p0 $0x0, s1;
	[sflag:s0] =	ssyncset.done @!p0 $0x0  }
0xa8: {  	[sflag:s0] =	ssyncadd.s32 @!p0 s1  }
0xa9: {  	[bflag:$0x3] =	sbarrier.arrive $0xFFFF  }
0xaa: {  	_ =	shalt  }

// kernel: kernel.15.cloned.1.call-start
scs
__scs_entry_jumppad:
0x0: {  	(pc) =	sbr.rel $0x88, $3  }
0x1: {  	(tag) =	ssettag $0x0;
	lr =	simm.s32 $0x1  }
0x2: {  	[smem:$0x3F9B] =	sst lr;
	_ =	strace $0xD0000000  }
0x3: {  	_ = 	snop  }
0x4: {  	_ = 	snop  }
0x5: {  	_ = 	snop  }
0x6: {  	_ = 	snop  }
0x7: {  	_ = 	snop  }
__scs_overlays_trampoline_lowered:
0x8: {  	[smem:$0x3FAA] =	sst s0  }
0x9: {  	[smem:$0x3FAB] =	sst s1  }
0xa: {  	[smem:$0x3FAC] =	sst s2  }
0xb: {  	[smem:$0x3FAD] =	sst s3  }
0xc: {  	[smem:$0x3FAE] =	sst s4  }
0xd: {  	[smem:$0x3FAF] =	sst s5  }
0xe: {  	[smem:$0x3FB0] =	sst s6  }
0xf: {  	[smem:$0x3FB1] =	sst s7  }
0x10: {  	[smem:$0x3FB2] =	sst s8  }
0x11: {  	[smem:$0x3FB3] =	sst s9;
	s0 =	simm.s32 @!p0 $0x0  }
0x12: {  	s1 =	sld [smem:$0x3F99];
	s0 =	simm.s32 @p0 $0x1  }
0x13: {  	[smem:$0x3FB4] =	sst s0;
	s0 =	simm.s32 @!p1 $0x0  }
0x14: {  	s2 =	sld [smem:$0x3F98];
	s0 =	simm.s32 @p1 $0x1  }
0x15: {  	[smem:$0x3FB5] =	sst s0;
	s0 =	simm.s32 @!p2 $0x0  }
0x16: {  	s3 =	sld [smem:$0x3FDB];
	s0 =	simm.s32 @p2 $0x1  }
0x17: {  	s4 =	simm.s32 $0x1BF5;
	[smem:$0x3FB7] =	sst s0  }
0x18: {  	s0 =	sld [smem:$0x3F9A];
	_ =	swait.ge [sflag:s4], $0x0  }
0x19: {  	s7 =	sld [smem:$0x3F9B]  }
0x1a: {  	s8 =	sadd.s32 $0xFFFFE003, lr  }
0x1b: {  	s9 =	sadd.s32 $0xFFFFFEF7, lr;
	s5 =	simm.s32 $0xFFFFFFFF;
	p2 =	slt.u32 s8, $0xFFFFF086  }
0x1c: {  	p1 =	slt.u32 s9, $0xF7A;
	s5 =	simm.s32 @!p2 $0x0  }
0x1d: {  	s5 =	simm.s32 @p1 $0x1;
	p0 =	seq.s32 s7, s2  }
0x1e: {  	s7 =	smul.u32 @!p0 $0xF7A, s2;
	p2 =	seq.s32 @!p0 s5, $0x0  }
0x1f: {  	s9 =	smul.u32 $0xF7A, s1;
	s8 =	simm.s32 @!p0 $0x1BF5;
	p2 =	por !p2, p0  }
0x20: {  	[sflag:s8] =	ssyncset.s32 @!p0 $0xFFFFF086;
	s6 =	sadd.s32 @!p0 s3, s7;
	s7 =	simm.s32 @!p0 $0x108  }
0x21: {  	s3 =	sadd.s32 s3, s9;
	s6 =	sadd.s32 @!p0 $0x88, s6;
	s7 =	simm.s32 @p2 $0x1082  }
0x22: {  	[simem:s7], [sflag:s8] =	dma.local @!p0 [hbm:s6], $0xF7A  }
0x23: {  	s9 =	sor.u32 $0xD0000000, s2;
	s6 =	simm.s32 $0x108;
	_ =	swait.ge @!p0 [sflag:s8], $0x0  }
0x24: {  	s3 =	sadd.s32 $0x88, s3;
	s6 =	simm.s32 @!p1 $0x1082;
	[sflag:s4] =	ssyncset.s32 $0xFFFFF086  }
0x25: {  	[simem:s6], [sflag:s4] =	dma.local [hbm:s3], $0xF7A  }
0x26: {  	[smem:$0x3F9B] =	sst s1;
	(tag) =	ssettag s2;
	_ =	strace s9  }
0x27: {  	s1 =	sld [smem:$0x3FAB]  }
0x28: {  	s2 =	sld [smem:$0x3FAC]  }
0x29: {  	s4 =	sld [smem:$0x3FAE]  }
0x2a: {  	p0 =	seq.s32 s5, $0x0;
	s5 =	sld [smem:$0x3FAF]  }
0x2b: {  	s6 =	sld [smem:$0x3FB0]  }
0x2c: {  	s7 =	sld [smem:$0x3FB1]  }
0x2d: {  	s3 =	simm.s32 $0x108;
	s8 =	sld [smem:$0x3FB2]  }
0x2e: {  	s3 =	simm.s32 @!p0 $0x1082;
	s9 =	sld [smem:$0x3FB3]  }
0x2f: {  	lr =	sadd.s32 s0, s3;
	s0 =	sld [smem:$0x3FAA]  }
0x30: {  	s3 =	sld [smem:$0x3FAD]  }
0x31: {  	[smem:$0x3FB6] =	sst s10  }
0x32: {  	s10 =	sld [smem:$0x3FB4];
	_ =	sdelay $0x3  }
0x33: {  	p0 =	seq.s32 s10, $0x1;
	s10 =	sld [smem:$0x3FB6];
	_ =	sdelay $0x3  }
0x34: {  	[smem:$0x3FB6] =	sst s10  }
0x35: {  	s10 =	sld [smem:$0x3FB5];
	_ =	sdelay $0x3  }
0x36: {  	p1 =	seq.s32 s10, $0x1;
	s10 =	sld [smem:$0x3FB6];
	_ =	sdelay $0x3  }
0x37: {  	[smem:$0x3FB6] =	sst s10  }
0x38: {  	s10 =	sld [smem:$0x3FB7]  }
0x39: {  	_ = 	snop;
	(pc) =	sbr.ind lr, $3  }
0x3a: {  	_ = 	snop  }
0x3b: {  	_ = 	snop  }
0x3c: {  	p2 =	seq.s32 s10, $0x1;
	s10 =	sld [smem:$0x3FB6]  }
0x3d: {  	_ =	shalt  }
0x3e: {  	_ =	shalt  }
0x3f: {  	_ =	shalt  }
0x40: {  	_ =	shalt  }
0x41: {  	_ =	shalt  }
0x42: {  	_ =	shalt  }
0x43: {  	_ =	shalt  }
0x44: {  	_ =	shalt  }
0x45: {  	_ =	shalt  }
0x46: {  	_ =	shalt  }
0x47: {  	_ =	shalt  }
0x48: {  	_ =	shalt  }
0x49: {  	_ =	shalt  }
0x4a: {  	_ =	shalt  }
0x4b: {  	_ =	shalt  }
0x4c: {  	_ =	shalt  }
0x4d: {  	_ =	shalt  }
0x4e: {  	_ =	shalt  }
0x4f: {  	_ =	shalt  }
0x50: {  	_ =	shalt  }
0x51: {  	_ =	shalt  }
0x52: {  	_ =	shalt  }
0x53: {  	_ =	shalt  }
0x54: {  	_ =	shalt  }
0x55: {  	_ =	shalt  }
0x56: {  	_ =	shalt  }
0x57: {  	_ =	shalt  }
0x58: {  	_ =	shalt  }
0x59: {  	_ =	shalt  }
0x5a: {  	_ =	shalt  }
0x5b: {  	_ =	shalt  }
0x5c: {  	_ =	shalt  }
0x5d: {  	_ =	shalt  }
0x5e: {  	_ =	shalt  }
0x5f: {  	_ =	shalt  }
0x60: {  	_ =	shalt  }
0x61: {  	_ =	shalt  }
0x62: {  	_ =	shalt  }
0x63: {  	_ =	shalt  }
0x64: {  	_ =	shalt  }
0x65: {  	_ =	shalt  }
0x66: {  	_ =	shalt  }
0x67: {  	_ =	shalt  }
0x68: {  	_ =	shalt  }
0x69: {  	_ =	shalt  }
0x6a: {  	_ =	shalt  }
0x6b: {  	_ =	shalt  }
0x6c: {  	_ =	shalt  }
0x6d: {  	_ =	shalt  }
0x6e: {  	_ =	shalt  }
0x6f: {  	_ =	shalt  }
0x70: {  	_ =	shalt  }
0x71: {  	_ =	shalt  }
0x72: {  	_ =	shalt  }
0x73: {  	_ =	shalt  }
0x74: {  	_ =	shalt  }
0x75: {  	_ =	shalt  }
0x76: {  	_ =	shalt  }
0x77: {  	_ =	shalt  }
0x78: {  	_ =	shalt  }
0x79: {  	_ =	shalt  }
0x7a: {  	_ =	shalt  }
0x7b: {  	_ =	shalt  }
0x7c: {  	_ =	shalt  }
0x7d: {  	_ =	shalt  }
0x7e: {  	_ =	shalt  }
0x7f: {  	_ =	shalt  }
0x80: {  	_ =	shalt  }
0x81: {  	_ =	shalt  }
0x82: {  	_ =	shalt  }
0x83: {  	_ =	shalt  }
0x84: {  	_ =	shalt  }
0x85: {  	_ =	shalt  }
0x86: {  	_ =	shalt  }
0x87: {  	_ =	shalt  }
.Lfunc_end0:
.L_simem_size_0:
called_computation.2_lowered:
.L_overlay_start_0:
0x88: {  	s2 =	sld [smem:$0x3FD9]  }
0x89: {  	s3 =	sld [smem:$0x3FFE];
	_ =	sdelay $0x1  }
0x8a: {  	s1 =	srdreg.scid  }
0x8b: {  	s0 =	sand.u32 $0x1, s1  }
0x8c: {  	s17 =	sshll.u32 s0, $0xA;
	s2 =	sadd.s32 s3, s2  }
0x8d: {  	s2 =	sadd.s32 s2, s17  }
0x8e: {  	[smem:$0x3FC2] =	sst s2  }
0x8f: {  	_ = 	snop  }
0x90: {  	s2 =	sld [smem:$0x3FD0];
	(tm) =	ssettm $0x1  }
0x91: {  	s18 =	sld [smem:$0x3FFB];
	_ =	sdelay $0x3  }
0x92: {  	_ =	strace s18  }
0x93: {  	s3 =	sld [smem:$0x3FFC];
	_ =	sdelay $0x3  }
0x94: {  	_ =	strace s3  }
0x95: {  	s3 =	sld [smem:$0x3FFD];
	_ =	sdelay $0x3  }
0x96: {  	_ =	strace s3  }
0x97: {  	_ =	strace $0x8FFFFFFF  }
0x98: {  	s19 =	sld [smem:$0x3FDB];
	_ =	sdelay $0x1  }
0x99: {  	s4 =	simm.s32 $_scs_section_size  }
0x9a: {  	s5 =	simm.s32 $_size__tile_overlayer_lowered;
	s6 =	simm.s32 $_tile_overlayer_lowered  }
0x9b: {  	s22 =	simm.s32 $0x1BFF;
	s21 =	sshll.u32 s6, $0x1;
	s3 =	sadd.s32 s4, s19  }
0x9c: {  	s7 =	simm.s32 $0x0;
	s20 =	sshll.u32 s5, $0x1;
	s5 =	sadd.s32 s21, s3  }
0x9d: {  	[timem:s7], [sflag:s22] =	dma.local [hbm:s5], s20  }
0x9e: {  	_ =	swait.ge [sflag:s22], s20  }
0x9f: {  	s4 =	ssub.s32 $0x0, s20;
	[sflag:s22] =	ssyncset.done $0x0  }
0xa0: {  	[sflag:s22] =	ssyncadd.s32 s4;
	_ =	sdelay $0x1  }
0xa1: {  	s23 =	simm.s32 $0x1B8B  }
0xa2: {  	_ =	swait.ge [sflag:s23], $0x1  }
0xa3: {  	[sflag:s23] =	ssyncset.done $0x0  }
0xa4: {  	s25 =	simm.s32 $0x1B8E;
	s24 =	sld [smem:$0x3FFE];
	[sflag:s23] =	ssyncadd.s32 $0xFFFFFFFF  }
0xa5: {  	s26 =	simm.s32 $execute0_lowered;
	[smem:$0x3FD2] =	sst s25  }
0xa6: {  	s5 =	sshll.u32 s26, $0x1;
	_ =	strace $0x8000004C;
	[dreg:$0x1] =	wrdreg $0xFFFFFFFF  }
0xa7: {  	s28 =	simm.s32 $_size_execute0_lowered;
	s3 =	sadd.s32 s3, s5;
	[dreg:$0x0] =	wrdreg $0x0  }
0xa8: {  	s5 =	sshll.u32 s28, $0x1;
	[dreg:$0x2] =	wrdreg s3  }
0xa9: {  	[dreg:$0x3] =	wrdreg s5  }
0xaa: {  	[dreg:$0x4] =	wrdreg $0xC0  }
0xab: {  	_ =	task [dreg:s7], $0x5FFFF  }
0xac: {  	[dreg:$0x1] =	wrdreg $0xFFFFFFFF  }
0xad: {  	[dreg:$0x0] =	wrdreg $0x60  }
0xae: {  	[dreg:$0x2] =	wrdreg s24  }
0xaf: {  	[dreg:$0x3] =	wrdreg s2  }
0xb0: {  	[dreg:$0x4] =	wrdreg $0xA8000  }
0xb1: {  	[dreg:$0x5] =	wrdreg $0x9  }
0xb2: {  	_ =	task.clear_ibuf [dreg:s7], $0x6FFFF;
	_ =	strace $0x9000004C  }
0xb3: {  	s29 =	simm.s32 $0x9;
	_ =	strace $0x8000004E  }
0xb4: {  	_ =	swait.ge [sflag:s29], $0x1  }
0xb5: {  	[sflag:s29] =	ssyncadd.s32 $0xFFFFFFFF  }
0xb6: {  	_ =	strace $0x9000004E  }
0xb7: {  	_ =	sfence  }
0xb8: {  	s30 =	sld [smem:$0x0];
	_ =	sdelay $0x2  }
0xb9: {  	s31 =	sshll.u32 s1, $0xD;
	s1 =	sshrl.u32 s1, $0x2  }
0xba: {  	s3 =	sand.u32 $0x4000, s31;
	s1 =	sadd.s32 s1, s30  }
0xbb: {  	s0 =	sor.u32 s3, s0;
	s1 =	sshll.u32 s1, $0x11  }
0xbc: {  	s0 =	sor.u32 s1, s0  }
0xbd: {  	s0 =	sadd.s32 $0x8F2B, s0  }
0xbe: {  	[sflag:s0] =	ssyncadd.remote.s32 $0x1  }
0xbf: {  	_ =	sfence.sel $0xFFFF  }
0xc0: {  	[dreg:$0x0] =	wrdreg $0xFFFFFFFF;
	(pc) =	sbr.abs _section_cstart, $3  }
0xc1: {  	[dreg:$0x1] =	wrdreg $0xFFFFFFFF  }
0xc2: {  	_ =	task.clear_ibuf [dreg:s7], $0x2FFFF;
	_ =	strace $0x9FFFFFFF  }
0xc3: {  	(tm) =	ssettm $0x7FFFFFFF  }
tec
execute0_lowered:
.L_overlay_start_1:
0x0: {  	(tag) =	ssettag $0x1  }
0x1: {  	s5 =	rddreg [dreg:$0x0]  }
0x2: {  	s1 =	rddreg [dreg:$0x1]  }
0x3: {  	s2 =	rddreg [dreg:$0x2];
	s3 =	srdreg.scid  }
0x4: {  	s0 =	rddreg [dreg:$0x3];
	s4 =	simm.s32 $0x0;
	s16 =	simm.s32 $0x2800  }
0x5: {  	s17 =	simm.s32 $0x2;
	s18 =	simm.s32 $0x2780;
	s19 =	simm.s32 $0x6800  }
0x6: {  	s20 =	simm.s32 $0x0;
	s6 =	sand.u32 $0x1, s3;
	s3 =	stileid.u32  }
0x7: {  	[smem:$0x7FF] =	sst s4;
	s9 =	sadd.s32 $0x2400, s5;
	s7 =	smul.u32 $0x138800, s6  }
0x8: {  	s10 =	sadd.s32 $0x16400, s5;
	s15 =	smov.u32 s1;
	s8 =	smul.u32 $0x1F400, s3  }
0x9: {  	_ =	strace $0x8000004D;
	s24 =	sshll.u32 s6, $0x5;
	s11 =	sshll.u32 s3, $0x1  }
0xa: {  	s12 =	ssub.s32 $0x2, s6;
	s13 =	smul.u32 $0x7D000, s3;
	p0 =	seq.s32 s6, $0x1  }
0xb: {  	s14 =	smul.u32 $0x3E80, s3;
	s26 =	sshrl.u32 s12, $0x1;
	s15 =	smov.u32 @p0 s10  }
0xc: {  	p0 =	sgt.u32 s3, $0x9;
	s7 =	sadd.s32 s8, s7;
	s8 =	sor.u32 s11, s24  }
0xd: {  	s12 =	ssub.s32 s12, s26;
	s29 =	sshrl.u32 s13, $0x2;
	s11 =	sadd.s32 s15, s14  }
0xe: {  	s14 =	simm.s32 $0x3;
	s15 =	simm.s32 $0x7D;
	s28 =	smul.u32 $0x1400, s8  }
0xf: {  	s7 =	sshrl.u32 s7, $0x3;
	s8 =	smul.u32 $0x280, s8;
	s13 =	sadd.s32 s29, s2  }
0x10: {  	s10 =	smax.u32 s12, $0x1;
	s12 =	sshll.u32 @!p0 s3, $0x6;
	s25 =	sadd.s32 s7, s5  }
0x11: {  	s12 =	sor.u32 @!p0 $0x1C03, s12;
	s13 =	sshrl.u32 @!p0 s13, $0x3;
	s30 =	sshrl.u32 s28, $0x3  }
0x12: {  	s5 =	sadd.s32 s9, s8;
	s31 =	sadd.s32 s9, s30;
	s9 =	sadd.s32 $0x3D600, s25  }
0x13: {  	s6 =	sadd.s32 $0xA000, s31;
	s7 =	sadd.s32 $0x280, s31;
	s8 =	sadd.s32 $0xA280, s31  }
.LBB2_1:
0x14: {  	[spmem:s13], [sflag:s12] =	dma.local @!p0 [hbm:s11], $0x3E80  }
0x15: {  	s21 =	simm.s32 @!p0 $0x3  }
0x16: {  	_ =	swait.ge @!p0 [sflag:s21], $0x3E80  }
0x17: {  	[sflag:s21] =	ssyncset.done @!p0 $0x0  }
0x18: {  	[sflag:s21] =	ssyncadd.s32 @!p0 $0xFFFFC180  }
0x19: {  	[bflag:$0x0] =	sbarrier.arrive $0xFFFF  }
0x1a: {  	[tilespmem:s4], [sflag:$0x3] =	stream.linear.gather [hbm4b:s5+s4], $0x1400, $0x38;
	[tilespmem:$0x1E080] =	vst v63  }
0x1b: {  	_ =	swait.ge [sflag:s14], $0x1400  }
0x1c: {  	[sflag:s14] =	ssyncset.done $0x0  }
0x1d: {  	s21 =	simm.s32 $0x1400;
	[sflag:s14] =	ssyncadd.s32 $0xFFFFEC00  }
0x1e: {  	[tilespmem:s21], [sflag:$0x3] =	stream.linear.gather [hbm4b:s6+s4], $0x1400, $0x38;
	[tilespmem:$0x1E080] =	vst v63  }
0x1f: {  	_ =	swait.ge [sflag:s14], $0x1400  }
0x20: {  	s22 =	sand.u32 $0x1, s4;
	[sflag:s14] =	ssyncset.done $0x0  }
0x21: {  	s23 =	simm.s32 $0x80;
	p1 =	seq.s32 s22, $0x1;
	[sflag:s14] =	ssyncadd.s32 $0xFFFFEC00  }
0x22: {  	[tilespmem:s16], [sflag:$0x1] =	stream.indirect.gather [hbm4b:s1+s15], $0x80, s4, s15, $0xb8;
	[tilespmem:$0x1E080] =	vst v63  }
0x23: {  	s22 =	simm.s32 @p1 $0x7D;
	s24 =	simm.s32 @p1 $0x2800;
	s25 =	simm.s32 @p1 $0x2  }
0x24: {  	[tilespmem:s24], [sflag:$0x1] =	stream.indirect.gather @p1 [hbm4b:s1+s22], $0x80, s23, s22, $0xb8;
	[tilespmem:$0x1E080] =	vst v63  }
0x25: {  	_ =	swait.ge @p1 [sflag:s25], $0x3E80  }
0x26: {  	[sflag:s25] =	ssyncset.done @p1 $0x0  }
0x27: {  	s24 =	simm.s32 @p1 $0x6800;
	[sflag:s25] =	ssyncadd.s32 @p1 $0xFFFFC180  }
0x28: {  	[spmem:s2] =	stream.indirect.scatter.add.f32 @p1 [tilespmem:s24], [sflag:$0x3], $0x80, s21, s22, $0xb8;
	[tilespmem:$0x1E080] =	vst v63  }
0x29: {  	s25 =	simm.s32 @!p1 $0x1;
	s22 =	simm.s32 @!p1 $0x7D;
	s24 =	simm.s32 @!p1 $0x6800  }
0x2a: {  	[tilespmem:s24], [sflag:$0x2] =	stream.indirect.gather @!p1 [hbm4b:s1+s22], $0x80, s23, s22, $0xb8;
	[tilespmem:$0x1E080] =	vst v63  }
0x2b: {  	_ =	swait.ge @!p1 [sflag:s25], $0x3E80  }
0x2c: {  	s26 =	simm.s32 $0x1;
	s24 =	simm.s32 @!p1 $0x4;
	[sflag:s25] =	ssyncset.done @!p1 $0x0  }
0x2d: {  	s23 =	simm.s32 @!p1 $0x2800;
	s24 =	simm.s32 @p1 $0x3;
	[sflag:s25] =	ssyncadd.s32 @!p1 $0xFFFFC180  }
0x2e: {  	[spmem:s2] =	stream.indirect.scatter.add.f32 @!p1 [tilespmem:s23], [sflag:$0x4], $0x80, s21, s22, $0xb8;
	[tilespmem:$0x1E080] =	vst v63  }
0x2f: {  	s25 =	sand.u32 $0x1, s26;
	s23 =	simm.s32 $0x2;
	_ =	swait.ge [sflag:s24], $0x3E80  }
0x30: {  	s22 =	simm.s32 $0x100;
	s21 =	simm.s32 $0x1480;
	[sflag:s24] =	ssyncset.done $0x0  }
.LBB2_2:
0x31: {  	p1 =	seq.s32 s25, $0x1  }
0x32: {  	[sflag:s24] =	ssyncadd.s32 $0xFFFFC180;
	s25 =	smov.u32 s23;
	s23 =	sadd.s32 $0x1, s23  }
0x33: {  	s26 =	simm.s32 @p1 $0x7D;
	s24 =	simm.s32 @p1 $0x2800;
	s28 =	simm.s32 @p1 $0x2  }
0x34: {  	[tilespmem:s24], [sflag:$0x1] =	stream.indirect.gather @p1 [hbm4b:s1+s26], $0x80, s22, s26, $0xb8;
	[tilespmem:$0x1E080] =	vst v63  }
0x35: {  	p2 =	sne.s32 s23, $0x27;
	s24 =	simm.s32 @!p1 $0x4;
	_ =	swait.ge @p1 [sflag:s28], $0x3E80  }
0x36: {  	[sflag:s28] =	ssyncset.done @p1 $0x0  }
0x37: {  	[sflag:s28] =	ssyncadd.s32 @p1 $0xFFFFC180;
	s28 =	simm.s32 @p1 $0x6800  }
0x38: {  	[spmem:s2] =	stream.indirect.scatter.add.f32 @p1 [tilespmem:s28], [sflag:$0x3], $0x80, s21, s26, $0xb8;
	[tilespmem:$0x1E080] =	vst v63  }
0x39: {  	s29 =	simm.s32 @!p1 $0x1;
	s26 =	simm.s32 @!p1 $0x7D;
	s28 =	simm.s32 @!p1 $0x6800  }
0x3a: {  	[tilespmem:s28], [sflag:$0x2] =	stream.indirect.gather @!p1 [hbm4b:s1+s26], $0x80, s22, s26, $0xb8;
	[tilespmem:$0x1E080] =	vst v63  }
0x3b: {  	_ =	swait.ge @!p1 [sflag:s29], $0x3E80  }
.Ltmp0:
0x3c: {  	[sflag:s29] =	ssyncset.done @!p1 $0x0;
	(pc) =	sbr.rel @p2 .LBB2_2-.Ltmp0, $4  }
0x3d: {  	s24 =	simm.s32 @p1 $0x3;
	s28 =	simm.s32 @!p1 $0x2800;
	[sflag:s29] =	ssyncadd.s32 @!p1 $0xFFFFC180  }
0x3e: {  	[spmem:s2] =	stream.indirect.scatter.add.f32 @!p1 [tilespmem:s28], [sflag:$0x4], $0x80, s21, s26, $0xb8;
	[tilespmem:$0x1E080] =	vst v63  }
0x3f: {  	s22 =	sadd.s32 $0x80, s22;
	_ =	swait.ge [sflag:s24], $0x3E80  }
0x40: {  	s25 =	sand.u32 $0x1, s25;
	s21 =	sadd.s32 $0x80, s21;
	[sflag:s24] =	ssyncset.done $0x0  }
0x41: {  	p1 =	seq.s32 s25, $0x1;
	[sflag:s24] =	ssyncadd.s32 $0xFFFFC180  }
0x42: {  	s23 =	simm.s32 @p1 $0x7D;
	s24 =	simm.s32 @p1 $0x2800;
	s25 =	simm.s32 @p1 $0x2  }
0x43: {  	[tilespmem:s24], [sflag:$0x1] =	stream.indirect.gather @p1 [hbm4b:s1+s23], $0x80, s22, s23, $0xb8;
	[tilespmem:$0x1E080] =	vst v63  }
0x44: {  	_ =	swait.ge @p1 [sflag:s25], $0x3E80  }
0x45: {  	[sflag:s25] =	ssyncset.done @p1 $0x0  }
0x46: {  	s24 =	simm.s32 @p1 $0x6800;
	[sflag:s25] =	ssyncadd.s32 @p1 $0xFFFFC180  }
0x47: {  	[spmem:s2] =	stream.indirect.scatter.add.f32 @p1 [tilespmem:s24], [sflag:$0x3], $0x80, s21, s23, $0xb8;
	[tilespmem:$0x1E080] =	vst v63  }
0x48: {  	s25 =	simm.s32 @!p1 $0x1;
	s23 =	simm.s32 @!p1 $0x7D;
	s24 =	simm.s32 @!p1 $0x6800  }
0x49: {  	[tilespmem:s24], [sflag:$0x2] =	stream.indirect.gather @!p1 [hbm4b:s1+s23], $0x80, s22, s23, $0xb8;
	[tilespmem:$0x1E080] =	vst v63  }
0x4a: {  	_ =	swait.ge @!p1 [sflag:s25], $0x3E80  }
0x4b: {  	s22 =	simm.s32 @!p1 $0x4;
	[sflag:s25] =	ssyncset.done @!p1 $0x0  }
0x4c: {  	s24 =	simm.s32 @!p1 $0x2800;
	s22 =	simm.s32 @p1 $0x3;
	[sflag:s25] =	ssyncadd.s32 @!p1 $0xFFFFC180  }
0x4d: {  	[spmem:s2] =	stream.indirect.scatter.add.f32 @!p1 [tilespmem:s24], [sflag:$0x4], $0x80, s21, s23, $0xb8;
	[tilespmem:$0x1E080] =	vst v63  }
0x4e: {  	_ =	swait.ge [sflag:s22], $0x3E80  }
0x4f: {  	[sflag:s22] =	ssyncset.done $0x0  }
0x50: {  	[sflag:s22] =	ssyncadd.s32 $0xFFFFC180  }
0x51: {  	_ =	swait.ge [sflag:s17], $0x3E80  }
0x52: {  	[sflag:s17] =	ssyncset.done $0x0  }
0x53: {  	[sflag:s17] =	ssyncadd.s32 $0xFFFFC180  }
0x54: {  	[spmem:s2] =	stream.indirect.scatter.add.f32 [tilespmem:s19], [sflag:$0x3], $0x80, s18, s15, $0xb8;
	[tilespmem:$0x1E080] =	vst v63  }
0x55: {  	_ =	swait.ge [sflag:s14], $0x3E80  }
0x56: {  	[sflag:s14] =	ssyncset.done $0x0  }
0x57: {  	s31 =	simm.s32 $0x0;
	[sflag:s14] =	ssyncadd.s32 $0xFFFFC180  }
0x58: {  	[tilespmem:s31], [sflag:$0x3] =	stream.linear.gather [hbm4b:s7+s31], $0x1400, $0x38;
	[tilespmem:$0x1E080] =	vst v63  }
0x59: {  	_ =	swait.ge [sflag:s14], $0x1400  }
0x5a: {  	[sflag:s14] =	ssyncset.done $0x0  }
0x5b: {  	s22 =	simm.s32 $0x1400;
	[sflag:s14] =	ssyncadd.s32 $0xFFFFEC00  }
0x5c: {  	[tilespmem:s22], [sflag:$0x3] =	stream.linear.gather [hbm4b:s8+s31], $0x1400, $0x38;
	[tilespmem:$0x1E080] =	vst v63  }
0x5d: {  	_ =	swait.ge [sflag:s14], $0x1400  }
0x5e: {  	s21 =	sand.u32 $0x1, s31;
	[sflag:s14] =	ssyncset.done $0x0  }
0x5f: {  	s23 =	simm.s32 $0x80;
	p1 =	seq.s32 s21, $0x1;
	[sflag:s14] =	ssyncadd.s32 $0xFFFFEC00  }
0x60: {  	[tilespmem:s16], [sflag:$0x1] =	stream.indirect.gather [hbm4b:s1+s15], $0x80, s31, s15, $0xb8;
	[tilespmem:$0x1E080] =	vst v63  }
0x61: {  	s21 =	simm.s32 @p1 $0x7D;
	s24 =	simm.s32 @p1 $0x2800;
	s25 =	simm.s32 @p1 $0x2  }
0x62: {  	[tilespmem:s24], [sflag:$0x1] =	stream.indirect.gather @p1 [hbm4b:s1+s21], $0x80, s23, s21, $0xb8;
	[tilespmem:$0x1E080] =	vst v63  }
0x63: {  	_ =	swait.ge @p1 [sflag:s25], $0x3E80  }
0x64: {  	[sflag:s25] =	ssyncset.done @p1 $0x0  }
0x65: {  	s24 =	simm.s32 @p1 $0x6800;
	[sflag:s25] =	ssyncadd.s32 @p1 $0xFFFFC180  }
0x66: {  	[spmem:s2] =	stream.indirect.scatter.add.f32 @p1 [tilespmem:s24], [sflag:$0x3], $0x80, s22, s21, $0xb8;
	[tilespmem:$0x1E080] =	vst v63  }
0x67: {  	s25 =	simm.s32 @!p1 $0x1;
	s21 =	simm.s32 @!p1 $0x7D;
	s24 =	simm.s32 @!p1 $0x6800  }
0x68: {  	[tilespmem:s24], [sflag:$0x2] =	stream.indirect.gather @!p1 [hbm4b:s1+s21], $0x80, s23, s21, $0xb8;
	[tilespmem:$0x1E080] =	vst v63  }
0x69: {  	_ =	swait.ge @!p1 [sflag:s25], $0x3E80  }
0x6a: {  	s26 =	simm.s32 $0x1;
	s24 =	simm.s32 @!p1 $0x4;
	[sflag:s25] =	ssyncset.done @!p1 $0x0  }
0x6b: {  	s23 =	simm.s32 @!p1 $0x2800;
	s24 =	simm.s32 @p1 $0x3;
	[sflag:s25] =	ssyncadd.s32 @!p1 $0xFFFFC180  }
0x6c: {  	[spmem:s2] =	stream.indirect.scatter.add.f32 @!p1 [tilespmem:s23], [sflag:$0x4], $0x80, s22, s21, $0xb8;
	[tilespmem:$0x1E080] =	vst v63  }
0x6d: {  	s25 =	sand.u32 $0x1, s26;
	s23 =	simm.s32 $0x2;
	_ =	swait.ge [sflag:s24], $0x3E80  }
0x6e: {  	s22 =	simm.s32 $0x100;
	s21 =	simm.s32 $0x1480;
	[sflag:s24] =	ssyncset.done $0x0  }
.LBB2_4:
0x6f: {  	p1 =	seq.s32 s25, $0x1  }
0x70: {  	[sflag:s24] =	ssyncadd.s32 $0xFFFFC180;
	s25 =	smov.u32 s23;
	s23 =	sadd.s32 $0x1, s23  }
0x71: {  	s26 =	simm.s32 @p1 $0x7D;
	s24 =	simm.s32 @p1 $0x2800;
	s28 =	simm.s32 @p1 $0x2  }
0x72: {  	[tilespmem:s24], [sflag:$0x1] =	stream.indirect.gather @p1 [hbm4b:s1+s26], $0x80, s22, s26, $0xb8;
	[tilespmem:$0x1E080] =	vst v63  }
0x73: {  	p2 =	sne.s32 s23, $0x27;
	s24 =	simm.s32 @!p1 $0x4;
	_ =	swait.ge @p1 [sflag:s28], $0x3E80  }
0x74: {  	[sflag:s28] =	ssyncset.done @p1 $0x0  }
0x75: {  	[sflag:s28] =	ssyncadd.s32 @p1 $0xFFFFC180;
	s28 =	simm.s32 @p1 $0x6800  }
0x76: {  	[spmem:s2] =	stream.indirect.scatter.add.f32 @p1 [tilespmem:s28], [sflag:$0x3], $0x80, s21, s26, $0xb8;
	[tilespmem:$0x1E080] =	vst v63  }
0x77: {  	s29 =	simm.s32 @!p1 $0x1;
	s26 =	simm.s32 @!p1 $0x7D;
	s28 =	simm.s32 @!p1 $0x6800  }
0x78: {  	[tilespmem:s28], [sflag:$0x2] =	stream.indirect.gather @!p1 [hbm4b:s1+s26], $0x80, s22, s26, $0xb8;
	[tilespmem:$0x1E080] =	vst v63  }
0x79: {  	_ =	swait.ge @!p1 [sflag:s29], $0x3E80  }
.Ltmp1:
0x7a: {  	[sflag:s29] =	ssyncset.done @!p1 $0x0;
	(pc) =	sbr.rel @p2 .LBB2_4-.Ltmp1, $4  }
0x7b: {  	s24 =	simm.s32 @p1 $0x3;
	s28 =	simm.s32 @!p1 $0x2800;
	[sflag:s29] =	ssyncadd.s32 @!p1 $0xFFFFC180  }
0x7c: {  	[spmem:s2] =	stream.indirect.scatter.add.f32 @!p1 [tilespmem:s28], [sflag:$0x4], $0x80, s21, s26, $0xb8;
	[tilespmem:$0x1E080] =	vst v63  }
0x7d: {  	s22 =	sadd.s32 $0x80, s22;
	_ =	swait.ge [sflag:s24], $0x3E80  }
0x7e: {  	s25 =	sand.u32 $0x1, s25;
	s21 =	sadd.s32 $0x80, s21;
	[sflag:s24] =	ssyncset.done $0x0  }
0x7f: {  	p1 =	seq.s32 s25, $0x1;
	[sflag:s24] =	ssyncadd.s32 $0xFFFFC180  }
0x80: {  	s23 =	simm.s32 @p1 $0x7D;
	s24 =	simm.s32 @p1 $0x2800;
	s25 =	simm.s32 @p1 $0x2  }
0x81: {  	[tilespmem:s24], [sflag:$0x1] =	stream.indirect.gather @p1 [hbm4b:s1+s23], $0x80, s22, s23, $0xb8;
	[tilespmem:$0x1E080] =	vst v63  }
0x82: {  	_ =	swait.ge @p1 [sflag:s25], $0x3E80  }
0x83: {  	[sflag:s25] =	ssyncset.done @p1 $0x0  }
0x84: {  	s24 =	simm.s32 @p1 $0x6800;
	[sflag:s25] =	ssyncadd.s32 @p1 $0xFFFFC180  }
0x85: {  	[spmem:s2] =	stream.indirect.scatter.add.f32 @p1 [tilespmem:s24], [sflag:$0x3], $0x80, s21, s23, $0xb8;
	[tilespmem:$0x1E080] =	vst v63  }
0x86: {  	s25 =	simm.s32 @!p1 $0x1;
	s23 =	simm.s32 @!p1 $0x7D;
	s24 =	simm.s32 @!p1 $0x6800  }
0x87: {  	[tilespmem:s24], [sflag:$0x2] =	stream.indirect.gather @!p1 [hbm4b:s1+s23], $0x80, s22, s23, $0xb8;
	[tilespmem:$0x1E080] =	vst v63  }
0x88: {  	_ =	swait.ge @!p1 [sflag:s25], $0x3E80  }
0x89: {  	s22 =	simm.s32 @!p1 $0x4;
	[sflag:s25] =	ssyncset.done @!p1 $0x0  }
0x8a: {  	s24 =	simm.s32 @!p1 $0x2800;
	s22 =	simm.s32 @p1 $0x3;
	[sflag:s25] =	ssyncadd.s32 @!p1 $0xFFFFC180  }
0x8b: {  	[spmem:s2] =	stream.indirect.scatter.add.f32 @!p1 [tilespmem:s24], [sflag:$0x4], $0x80, s21, s23, $0xb8;
	[tilespmem:$0x1E080] =	vst v63  }
0x8c: {  	_ =	swait.ge [sflag:s22], $0x3E80  }
0x8d: {  	[sflag:s22] =	ssyncset.done $0x0  }
0x8e: {  	[sflag:s22] =	ssyncadd.s32 $0xFFFFC180  }
0x8f: {  	_ =	swait.ge [sflag:s17], $0x3E80  }
0x90: {  	[sflag:s17] =	ssyncset.done $0x0  }
0x91: {  	[sflag:s17] =	ssyncadd.s32 $0xFFFFC180  }
0x92: {  	[spmem:s2] =	stream.indirect.scatter.add.f32 [tilespmem:s19], [sflag:$0x3], $0x80, s18, s15, $0xb8;
	[tilespmem:$0x1E080] =	vst v63  }
0x93: {  	_ =	swait.ge [sflag:s14], $0x3E80  }
0x94: {  	s20 =	sadd.s32 $0x1, s20;
	[sflag:s14] =	ssyncset.done $0x0  }
0x95: {  	p1 =	sne.s32 s20, s10;
	[sflag:s14] =	ssyncadd.s32 $0xFFFFC180  }
.Ltmp2:
0x96: {  	s21 =	simm.s32 @!p0 $0x3;
	[bflag:$0x0] =	sbarrier.arrive $0xFFFF;
	(pc) =	sbr.rel @p1 .LBB2_1-.Ltmp2, $4  }
0x97: {  	[hbm:s9], [sflag:s12] =	dma.local @!p0 [spmem:s13], $0x3E80  }
0x98: {  	_ =	swait.ge @!p0 [sflag:s21], $0x3E80  }
0x99: {  	[sflag:s21] =	ssyncset.done @!p0 $0x0  }
0x9a: {  	[sflag:s21] =	ssyncadd.s32 @!p0 $0xFFFFC180  }
0x9b: {  	_ =	sfence.sel $0x180000  }
0x9c: {  	[bflag:$0x0] =	sbarrier.arrive $0xFFFF  }
0x9d: {  	p0 =	sne.s32 s3, $0x0;
	_ =	strace $0x9000004D  }
0x9e: {  	s0 =	sadd.s32 @!p0 $0x100000, s0;
	[bflag:$0x2] =	sbarrier.arrive $0xFFFF  }
0x9f: {  	[sflag:s0] =	ssyncadd.tile.s32 @!p0 $0x1;
	_ =	shalt  }
.Lfunc_end2:
_tile_overlayer_lowered:
.L_overlay_start_2:
0xa0: {  	(tag) =	ssettag $0x2  }
0xa1: {  	s0 =	rddreg [dreg:$0x0];
	s2 =	stileid.u32  }
0xa2: {  	s1 =	rddreg [dreg:$0x1];
	p0 =	sne.s32 s2, $0x0  }
0xa3: {  	s3 =	rddreg [dreg:$0x2];
	[bflag:$0x3] =	sbarrier.arrive $0xFFFF;
	s2 =	simm.s32 @!p0 $0x1C03  }
0xa4: {  	[timem:s3], [sflag:s2] =	dma.local @!p0 [hbm:s0], s1  }
0xa5: {  	s0 =	simm.s32 @!p0 $0x3  }
0xa6: {  	_ =	swait.ge @!p0 [sflag:s0], s1  }
0xa7: {  	s1 =	ssub.s32 @!p0 $0x0, s1;
	[sflag:s0] =	ssyncset.done @!p0 $0x0  }
0xa8: {  	[sflag:s0] =	ssyncadd.s32 @!p0 s1  }
0xa9: {  	[bflag:$0x3] =	sbarrier.arrive $0xFFFF  }
0xaa: {  	_ =	shalt  }

// kernel: kernel.9.cloned.1.call-start
scs
__scs_entry_jumppad:
0x0: {  	(pc) =	sbr.rel $0x88, $3  }
0x1: {  	(tag) =	ssettag $0x0;
	lr =	simm.s32 $0x1  }
0x2: {  	[smem:$0x3F9B] =	sst lr;
	_ =	strace $0xD0000000  }
0x3: {  	_ = 	snop  }
0x4: {  	_ = 	snop  }
0x5: {  	_ = 	snop  }
0x6: {  	_ = 	snop  }
0x7: {  	_ = 	snop  }
__scs_overlays_trampoline_lowered:
0x8: {  	[smem:$0x3FAA] =	sst s0  }
0x9: {  	[smem:$0x3FAB] =	sst s1  }
0xa: {  	[smem:$0x3FAC] =	sst s2  }
0xb: {  	[smem:$0x3FAD] =	sst s3  }
0xc: {  	[smem:$0x3FAE] =	sst s4  }
0xd: {  	[smem:$0x3FAF] =	sst s5  }
0xe: {  	[smem:$0x3FB0] =	sst s6  }
0xf: {  	[smem:$0x3FB1] =	sst s7  }
0x10: {  	[smem:$0x3FB2] =	sst s8  }
0x11: {  	[smem:$0x3FB3] =	sst s9;
	s0 =	simm.s32 @!p0 $0x0  }
0x12: {  	s1 =	sld [smem:$0x3F99];
	s0 =	simm.s32 @p0 $0x1  }
0x13: {  	[smem:$0x3FB4] =	sst s0;
	s0 =	simm.s32 @!p1 $0x0  }
0x14: {  	s2 =	sld [smem:$0x3F98];
	s0 =	simm.s32 @p1 $0x1  }
0x15: {  	[smem:$0x3FB5] =	sst s0;
	s0 =	simm.s32 @!p2 $0x0  }
0x16: {  	s3 =	sld [smem:$0x3FDB];
	s0 =	simm.s32 @p2 $0x1  }
0x17: {  	s4 =	simm.s32 $0x1BF5;
	[smem:$0x3FB7] =	sst s0  }
0x18: {  	s0 =	sld [smem:$0x3F9A];
	_ =	swait.ge [sflag:s4], $0x0  }
0x19: {  	s7 =	sld [smem:$0x3F9B]  }
0x1a: {  	s8 =	sadd.s32 $0xFFFFE003, lr  }
0x1b: {  	s9 =	sadd.s32 $0xFFFFFEF7, lr;
	s5 =	simm.s32 $0xFFFFFFFF;
	p2 =	slt.u32 s8, $0xFFFFF086  }
0x1c: {  	p1 =	slt.u32 s9, $0xF7A;
	s5 =	simm.s32 @!p2 $0x0  }
0x1d: {  	s5 =	simm.s32 @p1 $0x1;
	p0 =	seq.s32 s7, s2  }
0x1e: {  	s7 =	smul.u32 @!p0 $0xF7A, s2;
	p2 =	seq.s32 @!p0 s5, $0x0  }
0x1f: {  	s9 =	smul.u32 $0xF7A, s1;
	s8 =	simm.s32 @!p0 $0x1BF5;
	p2 =	por !p2, p0  }
0x20: {  	[sflag:s8] =	ssyncset.s32 @!p0 $0xFFFFF086;
	s6 =	sadd.s32 @!p0 s3, s7;
	s7 =	simm.s32 @!p0 $0x108  }
0x21: {  	s3 =	sadd.s32 s3, s9;
	s6 =	sadd.s32 @!p0 $0x88, s6;
	s7 =	simm.s32 @p2 $0x1082  }
0x22: {  	[simem:s7], [sflag:s8] =	dma.local @!p0 [hbm:s6], $0xF7A  }
0x23: {  	s9 =	sor.u32 $0xD0000000, s2;
	s6 =	simm.s32 $0x108;
	_ =	swait.ge @!p0 [sflag:s8], $0x0  }
0x24: {  	s3 =	sadd.s32 $0x88, s3;
	s6 =	simm.s32 @!p1 $0x1082;
	[sflag:s4] =	ssyncset.s32 $0xFFFFF086  }
0x25: {  	[simem:s6], [sflag:s4] =	dma.local [hbm:s3], $0xF7A  }
0x26: {  	[smem:$0x3F9B] =	sst s1;
	(tag) =	ssettag s2;
	_ =	strace s9  }
0x27: {  	s1 =	sld [smem:$0x3FAB]  }
0x28: {  	s2 =	sld [smem:$0x3FAC]  }
0x29: {  	s4 =	sld [smem:$0x3FAE]  }
0x2a: {  	p0 =	seq.s32 s5, $0x0;
	s5 =	sld [smem:$0x3FAF]  }
0x2b: {  	s6 =	sld [smem:$0x3FB0]  }
0x2c: {  	s7 =	sld [smem:$0x3FB1]  }
0x2d: {  	s3 =	simm.s32 $0x108;
	s8 =	sld [smem:$0x3FB2]  }
0x2e: {  	s3 =	simm.s32 @!p0 $0x1082;
	s9 =	sld [smem:$0x3FB3]  }
0x2f: {  	lr =	sadd.s32 s0, s3;
	s0 =	sld [smem:$0x3FAA]  }
0x30: {  	s3 =	sld [smem:$0x3FAD]  }
0x31: {  	[smem:$0x3FB6] =	sst s10  }
0x32: {  	s10 =	sld [smem:$0x3FB4];
	_ =	sdelay $0x3  }
0x33: {  	p0 =	seq.s32 s10, $0x1;
	s10 =	sld [smem:$0x3FB6];
	_ =	sdelay $0x3  }
0x34: {  	[smem:$0x3FB6] =	sst s10  }
0x35: {  	s10 =	sld [smem:$0x3FB5];
	_ =	sdelay $0x3  }
0x36: {  	p1 =	seq.s32 s10, $0x1;
	s10 =	sld [smem:$0x3FB6];
	_ =	sdelay $0x3  }
0x37: {  	[smem:$0x3FB6] =	sst s10  }
0x38: {  	s10 =	sld [smem:$0x3FB7]  }
0x39: {  	_ = 	snop;
	(pc) =	sbr.ind lr, $3  }
0x3a: {  	_ = 	snop  }
0x3b: {  	_ = 	snop  }
0x3c: {  	p2 =	seq.s32 s10, $0x1;
	s10 =	sld [smem:$0x3FB6]  }
0x3d: {  	_ =	shalt  }
0x3e: {  	_ =	shalt  }
0x3f: {  	_ =	shalt  }
0x40: {  	_ =	shalt  }
0x41: {  	_ =	shalt  }
0x42: {  	_ =	shalt  }
0x43: {  	_ =	shalt  }
0x44: {  	_ =	shalt  }
0x45: {  	_ =	shalt  }
0x46: {  	_ =	shalt  }
0x47: {  	_ =	shalt  }
0x48: {  	_ =	shalt  }
0x49: {  	_ =	shalt  }
0x4a: {  	_ =	shalt  }
0x4b: {  	_ =	shalt  }
0x4c: {  	_ =	shalt  }
0x4d: {  	_ =	shalt  }
0x4e: {  	_ =	shalt  }
0x4f: {  	_ =	shalt  }
0x50: {  	_ =	shalt  }
0x51: {  	_ =	shalt  }
0x52: {  	_ =	shalt  }
0x53: {  	_ =	shalt  }
0x54: {  	_ =	shalt  }
0x55: {  	_ =	shalt  }
0x56: {  	_ =	shalt  }
0x57: {  	_ =	shalt  }
0x58: {  	_ =	shalt  }
0x59: {  	_ =	shalt  }
0x5a: {  	_ =	shalt  }
0x5b: {  	_ =	shalt  }
0x5c: {  	_ =	shalt  }
0x5d: {  	_ =	shalt  }
0x5e: {  	_ =	shalt  }
0x5f: {  	_ =	shalt  }
0x60: {  	_ =	shalt  }
0x61: {  	_ =	shalt  }
0x62: {  	_ =	shalt  }
0x63: {  	_ =	shalt  }
0x64: {  	_ =	shalt  }
0x65: {  	_ =	shalt  }
0x66: {  	_ =	shalt  }
0x67: {  	_ =	shalt  }
0x68: {  	_ =	shalt  }
0x69: {  	_ =	shalt  }
0x6a: {  	_ =	shalt  }
0x6b: {  	_ =	shalt  }
0x6c: {  	_ =	shalt  }
0x6d: {  	_ =	shalt  }
0x6e: {  	_ =	shalt  }
0x6f: {  	_ =	shalt  }
0x70: {  	_ =	shalt  }
0x71: {  	_ =	shalt  }
0x72: {  	_ =	shalt  }
0x73: {  	_ =	shalt  }
0x74: {  	_ =	shalt  }
0x75: {  	_ =	shalt  }
0x76: {  	_ =	shalt  }
0x77: {  	_ =	shalt  }
0x78: {  	_ =	shalt  }
0x79: {  	_ =	shalt  }
0x7a: {  	_ =	shalt  }
0x7b: {  	_ =	shalt  }
0x7c: {  	_ =	shalt  }
0x7d: {  	_ =	shalt  }
0x7e: {  	_ =	shalt  }
0x7f: {  	_ =	shalt  }
0x80: {  	_ =	shalt  }
0x81: {  	_ =	shalt  }
0x82: {  	_ =	shalt  }
0x83: {  	_ =	shalt  }
0x84: {  	_ =	shalt  }
0x85: {  	_ =	shalt  }
0x86: {  	_ =	shalt  }
0x87: {  	_ =	shalt  }
.Lfunc_end0:
.L_simem_size_0:
called_computation_lowered:
.L_overlay_start_0:
0x88: {  	s2 =	sld [smem:$0x3FD9]  }
0x89: {  	s3 =	sld [smem:$0x3FFE];
	_ =	sdelay $0x1  }
0x8a: {  	s1 =	srdreg.scid  }
0x8b: {  	s0 =	sand.u32 $0x1, s1  }
0x8c: {  	s17 =	sshll.u32 s0, $0xA;
	s2 =	sadd.s32 s3, s2  }
0x8d: {  	s2 =	sadd.s32 s2, s17  }
0x8e: {  	[smem:$0x3FC2] =	sst s2  }
0x8f: {  	_ = 	snop  }
0x90: {  	s2 =	sld [smem:$0x3FD0];
	(tm) =	ssettm $0x1  }
0x91: {  	s18 =	sld [smem:$0x3FFB];
	_ =	sdelay $0x3  }
0x92: {  	_ =	strace s18  }
0x93: {  	s3 =	sld [smem:$0x3FFC];
	_ =	sdelay $0x3  }
0x94: {  	_ =	strace s3  }
0x95: {  	s3 =	sld [smem:$0x3FFD];
	_ =	sdelay $0x3  }
0x96: {  	_ =	strace s3  }
0x97: {  	_ =	strace $0x8FFFFFFF  }
0x98: {  	s19 =	sld [smem:$0x3FDB];
	_ =	sdelay $0x1  }
0x99: {  	s4 =	simm.s32 $_scs_section_size  }
0x9a: {  	s5 =	simm.s32 $_size__tile_overlayer_lowered;
	s6 =	simm.s32 $_tile_overlayer_lowered  }
0x9b: {  	s22 =	simm.s32 $0x1BFF;
	s21 =	sshll.u32 s6, $0x1;
	s3 =	sadd.s32 s4, s19  }
0x9c: {  	s7 =	simm.s32 $0x0;
	s20 =	sshll.u32 s5, $0x1;
	s5 =	sadd.s32 s21, s3  }
0x9d: {  	[timem:s7], [sflag:s22] =	dma.local [hbm:s5], s20  }
0x9e: {  	_ =	swait.ge [sflag:s22], s20  }
0x9f: {  	s4 =	ssub.s32 $0x0, s20;
	[sflag:s22] =	ssyncset.done $0x0  }
0xa0: {  	[sflag:s22] =	ssyncadd.s32 s4;
	_ =	sdelay $0x1  }
0xa1: {  	s23 =	simm.s32 $0x1B8B  }
0xa2: {  	_ =	swait.ge [sflag:s23], $0x1  }
0xa3: {  	[sflag:s23] =	ssyncset.done $0x0  }
0xa4: {  	s25 =	simm.s32 $0x1B8E;
	s24 =	sld [smem:$0x3FFE];
	[sflag:s23] =	ssyncadd.s32 $0xFFFFFFFF  }
0xa5: {  	s26 =	simm.s32 $execute0_lowered;
	[smem:$0x3FD2] =	sst s25  }
0xa6: {  	s5 =	sshll.u32 s26, $0x1;
	_ =	strace $0x80000046;
	[dreg:$0x1] =	wrdreg $0xFFFFFFFF  }
0xa7: {  	s28 =	simm.s32 $_size_execute0_lowered;
	s3 =	sadd.s32 s3, s5;
	[dreg:$0x0] =	wrdreg $0x0  }
0xa8: {  	s5 =	sshll.u32 s28, $0x1;
	[dreg:$0x2] =	wrdreg s3  }
0xa9: {  	[dreg:$0x3] =	wrdreg s5  }
0xaa: {  	[dreg:$0x4] =	wrdreg $0xC0  }
0xab: {  	_ =	task [dreg:s7], $0x5FFFF  }
0xac: {  	[dreg:$0x1] =	wrdreg $0xFFFFFFFF  }
0xad: {  	[dreg:$0x0] =	wrdreg $0x60  }
0xae: {  	[dreg:$0x2] =	wrdreg s24  }
0xaf: {  	[dreg:$0x3] =	wrdreg s2  }
0xb0: {  	[dreg:$0x4] =	wrdreg $0x18800  }
0xb1: {  	[dreg:$0x5] =	wrdreg $0x9  }
0xb2: {  	_ =	task.clear_ibuf [dreg:s7], $0x6FFFF;
	_ =	strace $0x90000046  }
0xb3: {  	s29 =	simm.s32 $0x9;
	_ =	strace $0x80000048  }
0xb4: {  	_ =	swait.ge [sflag:s29], $0x1  }
0xb5: {  	[sflag:s29] =	ssyncadd.s32 $0xFFFFFFFF  }
0xb6: {  	_ =	strace $0x90000048  }
0xb7: {  	_ =	sfence  }
0xb8: {  	s30 =	sld [smem:$0x0];
	_ =	sdelay $0x2  }
0xb9: {  	s31 =	sshll.u32 s1, $0xD;
	s1 =	sshrl.u32 s1, $0x2  }
0xba: {  	s3 =	sand.u32 $0x4000, s31;
	s1 =	sadd.s32 s1, s30  }
0xbb: {  	s0 =	sor.u32 s3, s0;
	s1 =	sshll.u32 s1, $0x11  }
0xbc: {  	s0 =	sor.u32 s1, s0  }
0xbd: {  	s0 =	sadd.s32 $0x8F2B, s0  }
0xbe: {  	[sflag:s0] =	ssyncadd.remote.s32 $0x1  }
0xbf: {  	_ =	sfence.sel $0xFFFF  }
0xc0: {  	[dreg:$0x0] =	wrdreg $0xFFFFFFFF;
	(pc) =	sbr.abs _section_cstart, $3  }
0xc1: {  	[dreg:$0x1] =	wrdreg $0xFFFFFFFF  }
0xc2: {  	_ =	task.clear_ibuf [dreg:s7], $0x2FFFF;
	_ =	strace $0x9FFFFFFF  }
0xc3: {  	(tm) =	ssettm $0x7FFFFFFF  }
tec
execute0_lowered:
.L_overlay_start_1:
0x0: {  	(tag) =	ssettag $0x1  }
0x1: {  	s1 =	srdreg.scid;
	s5 =	rddreg [dreg:$0x0]  }
0x2: {  	s0 =	stileid.u32;
	s9 =	rddreg [dreg:$0x1]  }
0x3: {  	s2 =	rddreg [dreg:$0x2];
	s13 =	simm.s32 $0x7D;
	s14 =	simm.s32 $0x0  }
0x4: {  	s4 =	sand.u32 $0x1, s1;
	s3 =	sshll.u32 s0, $0x1;
	s7 =	smul.u32 $0x3E8, s0  }
0x5: {  	p0 =	sgt.u32 s0, $0x9;
	s1 =	sshll.u32 s4, $0x5;
	s30 =	ssub.s32 $0x2, s4  }
0x6: {  	s10 =	smul.u32 $0x2710, s4;
	s4 =	sadd.s32 $0x16400, s5;
	s6 =	sor.u32 s3, s1  }
0x7: {  	s1 =	rddreg [dreg:$0x3];
	s3 =	simm.s32 $0x0;
	s11 =	sshrl.u32 s7, $0x3  }
0x8: {  	s12 =	sshrl.u32 s30, $0x1;
	s6 =	smul.u32 $0x1400, s6;
	[smem:$0x7FF] =	sst s3  }
0x9: {  	s31 =	ssub.s32 s30, s12;
	s10 =	sadd.s32 s7, s10;
	s12 =	simm.s32 $0x1  }
0xa: {  	_ =	strace $0x80000047;
	s10 =	sshrl.u32 s10, $0x3;
	s6 =	sshrl.u32 s6, $0x3  }
0xb: {  	s9 =	sadd.s32 s9, s10;
	s10 =	smax.u32 s31, $0x1;
	s8 =	sadd.s32 s6, s5  }
0xc: {  	s5 =	sadd.s32 s11, s5;
	s6 =	sadd.s32 s7, s2;
	s11 =	simm.s32 $0x1400  }
0xd: {  	s5 =	sadd.s32 $0x16600, s5;
	s7 =	sadd.s32 $0xC400, s8;
	s8 =	sadd.s32 $0xC680, s8  }
.LBB2_1:
0xe: {  	s15 =	simm.s32 @!p0 $0x0;
	s16 =	simm.s32 @!p0 $0x1480  }
0xf: {  	[tilespmem:s16], [sflag:$0x1] =	stream.linear.gather @!p0 [hbm4b:s5+s15], $0x3E8, $0x38;
	[tilespmem:$0x1AF8] =	vst v63  }
0x10: {  	s15 =	simm.s32 @!p0 $0x1  }
0x11: {  	_ =	swait.ge @!p0 [sflag:s15], $0x3E8  }
0x12: {  	[sflag:s15] =	ssyncset.done @!p0 $0x0  }
0x13: {  	[sflag:s15] =	ssyncadd.s32 @!p0 $0xFFFFFC18  }
0x14: {  	[spmem:s6] =	stream.linear.scatter @!p0 [tilespmem:s16], [sflag:$0x1], $0x3E8, $0x38;
	[tilespmem:$0x1AF8] =	vst v63  }
0x15: {  	_ =	swait.ge @!p0 [sflag:s15], $0x3E8  }
0x16: {  	[sflag:s15] =	ssyncset.done @!p0 $0x0  }
0x17: {  	[sflag:s15] =	ssyncadd.s32 @!p0 $0xFFFFFC18  }
0x18: {  	[tilespmem:s11], [sflag:$0x1] =	stream.linear.gather [hbm4b:s4+s3], $0x80, $0x38;
	[tilespmem:$0x1AF8] =	vst v63  }
0x19: {  	_ =	swait.ge [sflag:s12], $0x80  }
0x1a: {  	[sflag:s12] =	ssyncset.done $0x0  }
0x1b: {  	[sflag:s12] =	ssyncadd.s32 $0xFFFFFF80  }
0x1c: {  	[bflag:$0x0] =	sbarrier.arrive $0xFFFF  }
0x1d: {  	[tilespmem:s3], [sflag:$0x1] =	stream.linear.gather [hbm4b:s7+s3], $0x1400, $0x38;
	[tilespmem:$0x1AF8] =	vst v63  }
0x1e: {  	_ =	swait.ge [sflag:s12], $0x1400  }
0x1f: {  	[sflag:s12] =	ssyncset.done $0x0  }
0x20: {  	s31 =	simm.s32 $0x0;
	[sflag:s12] =	ssyncadd.s32 $0xFFFFEC00  }
0x21: {  	[spmem:s2] =	stream.indirect.scatter.add.f32 [tilespmem:s11], [sflag:$0x1], $0x1, s31, s13, $0xb8;
	[tilespmem:$0x1AF8] =	vst v63  }
0x22: {  	_ =	swait.ge [sflag:s12], $0x7D  }
0x23: {  	s15 =	simm.s32 $0x200;
	[sflag:s12] =	ssyncset.done $0x0  }
.LBB2_2:
0x24: {  	s16 =	sshra.s32 s15, $0x2;
	[sflag:s12] =	ssyncadd.s32 $0xFFFFFF83;
	p1 =	sne.s32 s15, $0x4E00  }
0x25: {  	[spmem:s2] =	stream.indirect.scatter.add.f32 [tilespmem:s11], [sflag:$0x1], $0x1, s16, s13, $0xb8;
	[tilespmem:$0x1AF8] =	vst v63  }
.Ltmp0:
0x26: {  	_ = 	snop;
	(pc) =	sbr.rel @p1 .LBB2_2-.Ltmp0, $4  }
0x27: {  	_ = 	snop  }
0x28: {  	s15 =	sadd.s32 $0x200, s15  }
0x29: {  	_ =	swait.ge [sflag:s12], $0x7D  }
0x2a: {  	[sflag:s12] =	ssyncset.done $0x0  }
0x2b: {  	[sflag:s12] =	ssyncadd.s32 $0xFFFFFF83;
	s15 =	simm.s32 $0x0  }
0x2c: {  	[tilespmem:s15], [sflag:$0x1] =	stream.linear.gather [hbm4b:s8+s15], $0x1400, $0x38;
	[tilespmem:$0x1AF8] =	vst v63  }
0x2d: {  	_ =	swait.ge [sflag:s12], $0x1400  }
0x2e: {  	[sflag:s12] =	ssyncset.done $0x0  }
0x2f: {  	s31 =	simm.s32 $0x0;
	[sflag:s12] =	ssyncadd.s32 $0xFFFFEC00  }
0x30: {  	[spmem:s2] =	stream.indirect.scatter.add.f32 [tilespmem:s11], [sflag:$0x1], $0x1, s31, s13, $0xb8;
	[tilespmem:$0x1AF8] =	vst v63  }
0x31: {  	_ =	swait.ge [sflag:s12], $0x7D  }
0x32: {  	s15 =	simm.s32 $0x200;
	[sflag:s12] =	ssyncset.done $0x0  }
.LBB2_4:
0x33: {  	s16 =	sshra.s32 s15, $0x2;
	[sflag:s12] =	ssyncadd.s32 $0xFFFFFF83;
	p1 =	sne.s32 s15, $0x4E00  }
0x34: {  	[spmem:s2] =	stream.indirect.scatter.add.f32 [tilespmem:s11], [sflag:$0x1], $0x1, s16, s13, $0xb8;
	[tilespmem:$0x1AF8] =	vst v63  }
.Ltmp1:
0x35: {  	_ = 	snop;
	(pc) =	sbr.rel @p1 .LBB2_4-.Ltmp1, $4  }
0x36: {  	_ = 	snop  }
0x37: {  	s15 =	sadd.s32 $0x200, s15  }
0x38: {  	_ =	swait.ge [sflag:s12], $0x7D  }
0x39: {  	[sflag:s12] =	ssyncset.done $0x0  }
0x3a: {  	[sflag:s12] =	ssyncadd.s32 $0xFFFFFF83  }
0x3b: {  	s15 =	simm.s32 @!p0 $0x1480;
	s16 =	simm.s32 @!p0 $0x1;
	[bflag:$0x0] =	sbarrier.arrive $0xFFFF  }
0x3c: {  	[tilespmem:s15], [sflag:$0x1] =	stream.linear.gather @!p0 [spmem:s6], $0x3E8, $0x38;
	[tilespmem:$0x1AF8] =	vst v63  }
0x3d: {  	s14 =	sadd.s32 $0x1, s14;
	_ =	swait.ge @!p0 [sflag:s16], $0x3E8  }
0x3e: {  	p1 =	sne.s32 s14, s10;
	[sflag:s16] =	ssyncset.done @!p0 $0x0  }
.Ltmp2:
0x3f: {  	s17 =	simm.s32 @!p0 $0x0;
	[sflag:s16] =	ssyncadd.s32 @!p0 $0xFFFFFC18;
	(pc) =	sbr.rel @p1 .LBB2_1-.Ltmp2, $4  }
0x40: {  	[hbm4b:s9+s17] =	stream.linear.scatter @!p0 [tilespmem:s15], [sflag:$0x1], $0x3E8, $0x38;
	[tilespmem:$0x1AF8] =	vst v63  }
0x41: {  	_ =	swait.ge @!p0 [sflag:s16], $0x3E8  }
0x42: {  	[sflag:s16] =	ssyncset.done @!p0 $0x0  }
0x43: {  	[sflag:s16] =	ssyncadd.s32 @!p0 $0xFFFFFC18  }
0x44: {  	_ =	sfence.sel $0x180000  }
0x45: {  	[bflag:$0x0] =	sbarrier.arrive $0xFFFF  }
0x46: {  	p0 =	sne.s32 s0, $0x0;
	_ =	strace $0x90000047  }
0x47: {  	s0 =	sadd.s32 @!p0 $0x100000, s1;
	[bflag:$0x2] =	sbarrier.arrive $0xFFFF  }
0x48: {  	[sflag:s0] =	ssyncadd.tile.s32 @!p0 $0x1;
	_ =	shalt  }
.Lfunc_end2:
_tile_overlayer_lowered:
.L_overlay_start_2:
0x49: {  	(tag) =	ssettag $0x2  }
0x4a: {  	s0 =	rddreg [dreg:$0x0];
	s2 =	stileid.u32  }
0x4b: {  	s1 =	rddreg [dreg:$0x1];
	p0 =	sne.s32 s2, $0x0  }
0x4c: {  	s3 =	rddreg [dreg:$0x2];
	[bflag:$0x3] =	sbarrier.arrive $0xFFFF;
	s2 =	simm.s32 @!p0 $0x1C01  }
0x4d: {  	[timem:s3], [sflag:s2] =	dma.local @!p0 [hbm:s0], s1  }
0x4e: {  	s0 =	simm.s32 @!p0 $0x1  }
0x4f: {  	_ =	swait.ge @!p0 [sflag:s0], s1  }
0x50: {  	s1 =	ssub.s32 @!p0 $0x0, s1;
	[sflag:s0] =	ssyncset.done @!p0 $0x0  }
0x51: {  	[sflag:s0] =	ssyncadd.s32 @!p0 s1  }
0x52: {  	[bflag:$0x3] =	sbarrier.arrive $0xFFFF  }
0x53: {  	_ =	shalt  }

</sc_bundles>
